<compile_context>
chip_gen: v7x
topology: tpu7x:2x2x1
jax: 0.10.2.dev20260603
libtpu: 0.0.44.dev20260713+nightly
codegen_flags: <defaults>
</compile_context>

<pallas_src>
import functools

import jax
import jax.numpy as jnp
from jax import lax
from jax.experimental import pallas as pl
from jax.experimental.pallas import tpu as pltpu
from jax.experimental.pallas import tpu_sc as plsc

NC = 1
NS = 16
NW = NC * NS
LANES = 16

L = 200
LP = 208
CHUNKS = LP // LANES
B = 1024
PB = B // NW
TW = PB * LP


def _make_kernel(vp):
    mesh = plsc.VectorSubcoreMesh(core_axis_name="c", subcore_axis_name="s",
                                  num_cores=NC)

    @functools.partial(
        pl.kernel,
        out_type=jax.ShapeDtypeStruct((B,), jnp.float32),
        mesh=mesh,
        scratch_types=[
            pltpu.VMEM((TW,), jnp.int32),
            pltpu.VMEM((TW,), jnp.int32),
            pltpu.VMEM((vp,), jnp.float32),
            pltpu.VMEM((PB,), jnp.float32),
            pltpu.VMEM((LANES,), jnp.float32),
        ],
        compiler_params=pltpu.CompilerParams(needs_layout_passes=False),
    )
    def kern(text_hbm, w_hbm, b_hbm, out_hbm, tok_v, tok2_v, buf_v, out_v,
             bias_v):
        wid = lax.axis_index("s") * NC + lax.axis_index("c")
        base = wid * TW

        pltpu.sync_copy(text_hbm.at[pl.ds(base, TW)], tok_v)
        pltpu.sync_copy(b_hbm, bias_v)

        lane = lax.iota(jnp.int32, 16)
        lane_f = lane.astype(jnp.float32)
        lane16 = lane * LANES
        pad_id = jnp.full((LANES,), vp - LANES, dtype=jnp.int32)
        GBLK = LP * LANES

        def dedup_one(p):
            off = p * LP
            g = p // LANES
            j = p % LANES
            dst0 = g * GBLK + j
            idxs = [tok_v[pl.ds(off + c * LANES, LANES)]
                    for c in range(CHUNKS)]
            for c in range(CHUNKS):
                plsc.store_scatter(buf_v, [idxs[c]],
                                   lane_f + float(c * LANES))
            tags = [plsc.load_gather(buf_v, [idxs[c]])
                    for c in range(CHUNKS)]
            for c in range(CHUNKS):
                win = tags[c] == lane_f + float(c * LANES)
                tokw = jnp.where(win, idxs[c], pad_id)
                plsc.store_scatter(
                    tok2_v, [lane16 + (dst0 + c * LANES * LANES)], tokw)

        def dedup_body(i, carry):
            dedup_one(i)
            return carry

        lax.fori_loop(0, PB, dedup_body, jnp.int32(0))

        pltpu.sync_copy(w_hbm, buf_v)

        bias = bias_v[...]
        NACC = 8
        for g in range(PB // LANES):
            def pos_body(i, accs):
                new = []
                for k in range(NACC):
                    row = tok2_v[pl.ds(g * GBLK + (i * NACC + k) * LANES,
                                       LANES)]
                    new.append(accs[k] + plsc.load_gather(buf_v, [row]))
                return tuple(new)

            accs = lax.fori_loop(0, LP // NACC, pos_body,
                                 tuple(jnp.zeros((LANES,), jnp.float32)
                                       for _ in range(NACC)))
            s01 = accs[0] + accs[1]
            s23 = accs[2] + accs[3]
            s45 = accs[4] + accs[5]
            s67 = accs[6] + accs[7]
            out_v[pl.ds(g * LANES, LANES)] = (s01 + s23) + (s45 + s67) + bias

        pltpu.sync_copy(out_v, out_hbm.at[pl.ds(wid * PB, PB)])

    return kern


def kernel(text, W, b):
    v = W.shape[1]
    vp = v + 2 * LANES
    pad = jnp.full((LP - L, B), v, dtype=jnp.int32)
    text_t = jnp.concatenate([text, pad], axis=0).T.reshape(-1)
    w_flat = jnp.concatenate([W[0], jnp.zeros((2 * LANES,), jnp.float32)])
    b16 = jnp.broadcast_to(b, (LANES,)).astype(jnp.float32)
    out = _make_kernel(vp)(text_t, w_flat, b16)
    return out.reshape(B, 1)

# --- scband reference (transcript-rebuilt; emitter-appended) ---
"""Pipeline reference for scband-mnb-3470333575853 (READ-ONLY COPY).

The authoritative reference and input builder live on the scoring server;
editing this copy changes nothing except your own understanding.
"""

import jax, jax.numpy as jnp
import numpy as np

V = 100000
L = 200
B = 1024

def setup_inputs(seed: int = 0) -> dict:
    key = jax.random.key(seed)
    k1, k2, k3 = jax.random.split(key, 3)
    text = jax.random.randint(k1, (L, B), 0, V, dtype=jnp.int32)
    # Learned parameters produced by postprocess(): w = nn.Linear(V, 1)
    W = jax.random.normal(k2, (1, V), dtype=jnp.float32) * 0.02
    b = jax.random.normal(k3, (1,), dtype=jnp.float32) * 0.02
    return {"text": text, "W": W, "b": b}

def reference(text, W, b):
    # Faithful to torch forward: for each phrase (column of text), Counter over the
    # L tokens yields the set of unique token ids; each unique id adds +1 exactly once
    # -> binary presence indicator word_vecs[B, V]. Realized as a scatter-max of 1.0.
    Lcur, Bcur = text.shape
    Vcur = W.shape[1]
    rows = jnp.broadcast_to(jnp.arange(Bcur, dtype=jnp.int32)[None, :], text.shape)
    word_vecs = jnp.zeros((Bcur, Vcur), dtype=jnp.float32).at[rows, text].max(1.0)
    # self.w(word_vecs): Linear(V, 1)
    out = word_vecs @ W.T + b
    return out

if __name__ == "__main__":
    import jax
    _d = setup_inputs()
    print(jax.jit(kernel)(*tuple(_d.values())))

</pallas_src>

<mosaic_0001>
#map = affine_map<(d0, d1) -> (0)>
module attributes {stable_mosaic.version = 14 : i64} {
  func.func @kern(%arg0: i32, %arg1: i32, %arg2: memref<212992xi32, #tpu.memory_space<hbm>>, %arg3: memref<100032xf32, #tpu.memory_space<hbm>>, %arg4: memref<16xf32, #tpu.memory_space<hbm>>, %arg5: memref<1024xf32, #tpu.memory_space<hbm>>, %arg6: memref<13312xi32, #tpu.memory_space<vmem>>, %arg7: memref<13312xi32, #tpu.memory_space<vmem>>, %arg8: memref<100032xf32, #tpu.memory_space<vmem>>, %arg9: memref<64xf32, #tpu.memory_space<vmem>>, %arg10: memref<16xf32, #tpu.memory_space<vmem>>) attributes {dimension_semantics = [#tpu.dimension_semantics<core_parallel>, #tpu.dimension_semantics<subcore_parallel>], iteration_bounds = array<i64: 1, 16>, scalar_prefetch = 0 : i64, scratch_operands = 5 : i64, tpu.core_type = #tpu.core_type<sc_vector_subcore>, window_params = [{transform_indices = #map}, {transform_indices = #map}, {transform_indices = #map}, {transform_indices = #map}]} {
    %mul3A = arith.constant 1 : i32
    %mul3A_0 = arith.muli %arg1, %mul3A : i32
    %add3A = arith.addi %mul3A_0, %arg0 : i32
    %mul3A_1 = arith.constant 13312 : i32
    %mul3A_2 = arith.muli %add3A, %mul3A_1 : i32
    "tpu.region"() ({
      %run_scoped3A = tpu.sem_alloc : memref<!tpu.dma_semaphore, #tpu.memory_space<semaphore_mem>>
      %dma_start3A = tpu.memref_slice %arg2[%mul3A_2] : memref<212992xi32, #tpu.memory_space<hbm>> -> memref<13312xi32, #tpu.memory_space<hbm>>
      %dma_start3A_142 = tpu.memref_slice %arg2[%mul3A_2] : memref<212992xi32, #tpu.memory_space<hbm>> -> memref<13312xi32, #tpu.memory_space<hbm>>
      tpu.enqueue_dma source(%dma_start3A_142 : memref<13312xi32, #tpu.memory_space<hbm>>) target(%arg6 : memref<13312xi32, #tpu.memory_space<vmem>>) target_semaphore(%run_scoped3A : memref<!tpu.dma_semaphore, #tpu.memory_space<semaphore_mem>>)
      %dma_wait3A = tpu.memref_slice %arg2[%mul3A_2] : memref<212992xi32, #tpu.memory_space<hbm>> -> memref<13312xi32, #tpu.memory_space<hbm>>
      %dma_wait3A_143 = tpu.memref_slice %arg2[%mul3A_2] : memref<212992xi32, #tpu.memory_space<hbm>> -> memref<13312xi32, #tpu.memory_space<hbm>>
      tpu.wait_dma2 semaphore(%run_scoped3A : memref<!tpu.dma_semaphore, #tpu.memory_space<semaphore_mem>>) src(%dma_wait3A_143 : memref<13312xi32, #tpu.memory_space<hbm>>) dst(%arg6 : memref<13312xi32, #tpu.memory_space<vmem>>)
      tpu.yield
    }) : () -> ()
    "tpu.region"() ({
      %run_scoped3A = tpu.sem_alloc : memref<!tpu.dma_semaphore, #tpu.memory_space<semaphore_mem>>
      tpu.enqueue_dma source(%arg4 : memref<16xf32, #tpu.memory_space<hbm>>) target(%arg10 : memref<16xf32, #tpu.memory_space<vmem>>) target_semaphore(%run_scoped3A : memref<!tpu.dma_semaphore, #tpu.memory_space<semaphore_mem>>)
      tpu.wait_dma2 semaphore(%run_scoped3A : memref<!tpu.dma_semaphore, #tpu.memory_space<semaphore_mem>>) src(%arg4 : memref<16xf32, #tpu.memory_space<hbm>>) dst(%arg10 : memref<16xf32, #tpu.memory_space<vmem>>)
      tpu.yield
    }) : () -> ()
    %iota3A = tpu.iota {dimensions = array<i32: 0>} : vector<16xi32>
    %convert_element_type3A = arith.sitofp %iota3A : vector<16xi32> to vector<16xf32>
    %mul3A_3 = arith.constant 16 : i32
    %mul3A_4 = vector.broadcast %mul3A_3 : i32 to vector<16xi32>
    %mul3A_5 = arith.muli %iota3A, %mul3A_4 : vector<16xi32>
    %broadcast_in_dim3A = arith.constant 100016 : i32
    %broadcast_in_dim3A_6 = vector.broadcast %broadcast_in_dim3A : i32 to vector<16xi32>
    %scan3A = arith.constant 0 : i32
    %scan3A_7 = arith.constant 0 : i32
    %scan3A_8 = arith.constant 64 : i32
    %scan3A_9 = arith.addi %scan3A_7, %scan3A_8 : i32
    %scan3A_10 = arith.constant 1 : i32
    scf.for %scan3A_142 = %scan3A_7 to %scan3A_9 step %scan3A_10  : i32 {
      %mul3A_143 = arith.constant 208 : i32
      %mul3A_144 = arith.muli %scan3A_142, %mul3A_143 : i32
      %jit3A = arith.constant 16 : i32
      %div3A = arith.divsi %scan3A_142, %jit3A : i32
      %sign3A = arith.constant 0 : i32
      %sign3A_145 = arith.cmpi sgt, %scan3A_142, %sign3A : i32
      %sign3A_146 = arith.extui %sign3A_145 : i1 to i32
      %sign3A_147 = arith.constant 0 : i32
      %sign3A_148 = arith.cmpi slt, %scan3A_142, %sign3A_147 : i32
      %sign3A_149 = arith.extui %sign3A_148 : i1 to i32
      %sign3A_150 = arith.subi %sign3A_146, %sign3A_149 : i32
      %sign3A_151 = arith.constant 0 : i32
      %sign3A_152 = arith.cmpi sgt, %jit3A, %sign3A_151 : i32
      %sign3A_153 = arith.extui %sign3A_152 : i1 to i32
      %sign3A_154 = arith.constant 0 : i32
      %sign3A_155 = arith.cmpi slt, %jit3A, %sign3A_154 : i32
      %sign3A_156 = arith.extui %sign3A_155 : i1 to i32
      %sign3A_157 = arith.subi %sign3A_153, %sign3A_156 : i32
      %ne3A = arith.cmpi ne, %sign3A_150, %sign3A_157 : i32
      %rem3A = arith.remsi %scan3A_142, %jit3A : i32
      %ne3A_158 = arith.constant 0 : i32
      %ne3A_159 = arith.cmpi ne, %rem3A, %ne3A_158 : i32
      %and3A = arith.andi %ne3A, %ne3A_159 : i1
      %sub3A = arith.constant 1 : i32
      %sub3A_160 = arith.subi %div3A, %sub3A : i32
      %select_n3A = arith.select %and3A, %sub3A_160, %div3A : i32
      %jit3A_161 = arith.constant 16 : i32
      %eq3A = arith.constant 0 : i32
      %eq3A_162 = arith.cmpi eq, %jit3A_161, %eq3A : i32
      %jit3A_163 = arith.constant 1 : i32
      %select_n3A_164 = arith.select %eq3A_162, %jit3A_163, %jit3A_161 : i32
      %rem3A_165 = arith.remsi %scan3A_142, %select_n3A_164 : i32
      %ne3A_166 = arith.constant 0 : i32
      %ne3A_167 = arith.cmpi ne, %rem3A_165, %ne3A_166 : i32
      %lt3A = arith.constant 0 : i32
      %lt3A_168 = arith.cmpi slt, %rem3A_165, %lt3A : i32
      %lt3A_169 = arith.constant 0 : i32
      %lt3A_170 = arith.cmpi slt, %select_n3A_164, %lt3A_169 : i32
      %ne3A_171 = arith.xori %lt3A_168, %lt3A_170 : i1
      %and3A_172 = arith.andi %ne3A_171, %ne3A_167 : i1
      %add3A_173 = arith.addi %rem3A_165, %select_n3A_164 : i32
      %select_n3A_174 = arith.select %and3A_172, %add3A_173, %rem3A_165 : i32
      %mul3A_175 = arith.constant 3328 : i32
      %mul3A_176 = arith.muli %select_n3A, %mul3A_175 : i32
      %add3A_177 = arith.addi %mul3A_176, %select_n3A_174 : i32
      %add3A_178 = arith.constant 0 : i32
      %add3A_179 = arith.addi %mul3A_144, %add3A_178 : i32
      %get3A_180 = arith.index_cast %add3A_179 : i32 to index
      %get3A_181 = tpu.vector_load %arg6[%get3A_180] {strides = array<i32>} : memref<13312xi32, #tpu.memory_space<vmem>>, vector<16xi32>,
      %add3A_182 = arith.constant 16 : i32
      %add3A_183 = arith.addi %mul3A_144, %add3A_182 : i32
      %get3A_184 = arith.index_cast %add3A_183 : i32 to index
      %get3A_185 = tpu.vector_load %arg6[%get3A_184] {strides = array<i32>} : memref<13312xi32, #tpu.memory_space<vmem>>, vector<16xi32>,
      %add3A_186 = arith.constant 32 : i32
      %add3A_187 = arith.addi %mul3A_144, %add3A_186 : i32
      %get3A_188 = arith.index_cast %add3A_187 : i32 to index
      %get3A_189 = tpu.vector_load %arg6[%get3A_188] {strides = array<i32>} : memref<13312xi32, #tpu.memory_space<vmem>>, vector<16xi32>,
      %add3A_190 = arith.constant 48 : i32
      %add3A_191 = arith.addi %mul3A_144, %add3A_190 : i32
      %get3A_192 = arith.index_cast %add3A_191 : i32 to index
      %get3A_193 = tpu.vector_load %arg6[%get3A_192] {strides = array<i32>} : memref<13312xi32, #tpu.memory_space<vmem>>, vector<16xi32>,
      %add3A_194 = arith.constant 64 : i32
      %add3A_195 = arith.addi %mul3A_144, %add3A_194 : i32
      %get3A_196 = arith.index_cast %add3A_195 : i32 to index
      %get3A_197 = tpu.vector_load %arg6[%get3A_196] {strides = array<i32>} : memref<13312xi32, #tpu.memory_space<vmem>>, vector<16xi32>,
      %add3A_198 = arith.constant 80 : i32
      %add3A_199 = arith.addi %mul3A_144, %add3A_198 : i32
      %get3A_200 = arith.index_cast %add3A_199 : i32 to index
      %get3A_201 = tpu.vector_load %arg6[%get3A_200] {strides = array<i32>} : memref<13312xi32, #tpu.memory_space<vmem>>, vector<16xi32>,
      %add3A_202 = arith.constant 96 : i32
      %add3A_203 = arith.addi %mul3A_144, %add3A_202 : i32
      %get3A_204 = arith.index_cast %add3A_203 : i32 to index
      %get3A_205 = tpu.vector_load %arg6[%get3A_204] {strides = array<i32>} : memref<13312xi32, #tpu.memory_space<vmem>>, vector<16xi32>,
      %add3A_206 = arith.constant 112 : i32
      %add3A_207 = arith.addi %mul3A_144, %add3A_206 : i32
      %get3A_208 = arith.index_cast %add3A_207 : i32 to index
      %get3A_209 = tpu.vector_load %arg6[%get3A_208] {strides = array<i32>} : memref<13312xi32, #tpu.memory_space<vmem>>, vector<16xi32>,
      %add3A_210 = arith.constant 128 : i32
      %add3A_211 = arith.addi %mul3A_144, %add3A_210 : i32
      %get3A_212 = arith.index_cast %add3A_211 : i32 to index
      %get3A_213 = tpu.vector_load %arg6[%get3A_212] {strides = array<i32>} : memref<13312xi32, #tpu.memory_space<vmem>>, vector<16xi32>,
      %add3A_214 = arith.constant 144 : i32
      %add3A_215 = arith.addi %mul3A_144, %add3A_214 : i32
      %get3A_216 = arith.index_cast %add3A_215 : i32 to index
      %get3A_217 = tpu.vector_load %arg6[%get3A_216] {strides = array<i32>} : memref<13312xi32, #tpu.memory_space<vmem>>, vector<16xi32>,
      %add3A_218 = arith.constant 160 : i32
      %add3A_219 = arith.addi %mul3A_144, %add3A_218 : i32
      %get3A_220 = arith.index_cast %add3A_219 : i32 to index
      %get3A_221 = tpu.vector_load %arg6[%get3A_220] {strides = array<i32>} : memref<13312xi32, #tpu.memory_space<vmem>>, vector<16xi32>,
      %add3A_222 = arith.constant 176 : i32
      %add3A_223 = arith.addi %mul3A_144, %add3A_222 : i32
      %get3A_224 = arith.index_cast %add3A_223 : i32 to index
      %get3A_225 = tpu.vector_load %arg6[%get3A_224] {strides = array<i32>} : memref<13312xi32, #tpu.memory_space<vmem>>, vector<16xi32>,
      %add3A_226 = arith.constant 192 : i32
      %add3A_227 = arith.addi %mul3A_144, %add3A_226 : i32
      %get3A_228 = arith.index_cast %add3A_227 : i32 to index
      %get3A_229 = tpu.vector_load %arg6[%get3A_228] {strides = array<i32>} : memref<13312xi32, #tpu.memory_space<vmem>>, vector<16xi32>,
      %add3A_230 = arith.constant 0.000000e+00 : f32
      %add3A_231 = vector.broadcast %add3A_230 : f32 to vector<16xf32>
      %add3A_232 = arith.addf %convert_element_type3A, %add3A_231 : vector<16xf32>
      tpu.vector_store_idx %arg8[%get3A_181], %add3A_232 : memref<100032xf32, #tpu.memory_space<vmem>>[vector<16xi32>], vector<16xf32>,
      %add3A_233 = arith.constant 1.600000e+01 : f32
      %add3A_234 = vector.broadcast %add3A_233 : f32 to vector<16xf32>
      %add3A_235 = arith.addf %convert_element_type3A, %add3A_234 : vector<16xf32>
      tpu.vector_store_idx %arg8[%get3A_185], %add3A_235 : memref<100032xf32, #tpu.memory_space<vmem>>[vector<16xi32>], vector<16xf32>,
      %add3A_236 = arith.constant 3.200000e+01 : f32
      %add3A_237 = vector.broadcast %add3A_236 : f32 to vector<16xf32>
      %add3A_238 = arith.addf %convert_element_type3A, %add3A_237 : vector<16xf32>
      tpu.vector_store_idx %arg8[%get3A_189], %add3A_238 : memref<100032xf32, #tpu.memory_space<vmem>>[vector<16xi32>], vector<16xf32>,
      %add3A_239 = arith.constant 4.800000e+01 : f32
      %add3A_240 = vector.broadcast %add3A_239 : f32 to vector<16xf32>
      %add3A_241 = arith.addf %convert_element_type3A, %add3A_240 : vector<16xf32>
      tpu.vector_store_idx %arg8[%get3A_193], %add3A_241 : memref<100032xf32, #tpu.memory_space<vmem>>[vector<16xi32>], vector<16xf32>,
      %add3A_242 = arith.constant 6.400000e+01 : f32
      %add3A_243 = vector.broadcast %add3A_242 : f32 to vector<16xf32>
      %add3A_244 = arith.addf %convert_element_type3A, %add3A_243 : vector<16xf32>
      tpu.vector_store_idx %arg8[%get3A_197], %add3A_244 : memref<100032xf32, #tpu.memory_space<vmem>>[vector<16xi32>], vector<16xf32>,
      %add3A_245 = arith.constant 8.000000e+01 : f32
      %add3A_246 = vector.broadcast %add3A_245 : f32 to vector<16xf32>
      %add3A_247 = arith.addf %convert_element_type3A, %add3A_246 : vector<16xf32>
      tpu.vector_store_idx %arg8[%get3A_201], %add3A_247 : memref<100032xf32, #tpu.memory_space<vmem>>[vector<16xi32>], vector<16xf32>,
      %add3A_248 = arith.constant 9.600000e+01 : f32
      %add3A_249 = vector.broadcast %add3A_248 : f32 to vector<16xf32>
      %add3A_250 = arith.addf %convert_element_type3A, %add3A_249 : vector<16xf32>
      tpu.vector_store_idx %arg8[%get3A_205], %add3A_250 : memref<100032xf32, #tpu.memory_space<vmem>>[vector<16xi32>], vector<16xf32>,
      %add3A_251 = arith.constant 1.120000e+02 : f32
      %add3A_252 = vector.broadcast %add3A_251 : f32 to vector<16xf32>
      %add3A_253 = arith.addf %convert_element_type3A, %add3A_252 : vector<16xf32>
      tpu.vector_store_idx %arg8[%get3A_209], %add3A_253 : memref<100032xf32, #tpu.memory_space<vmem>>[vector<16xi32>], vector<16xf32>,
      %add3A_254 = arith.constant 1.280000e+02 : f32
      %add3A_255 = vector.broadcast %add3A_254 : f32 to vector<16xf32>
      %add3A_256 = arith.addf %convert_element_type3A, %add3A_255 : vector<16xf32>
      tpu.vector_store_idx %arg8[%get3A_213], %add3A_256 : memref<100032xf32, #tpu.memory_space<vmem>>[vector<16xi32>], vector<16xf32>,
      %add3A_257 = arith.constant 1.440000e+02 : f32
      %add3A_258 = vector.broadcast %add3A_257 : f32 to vector<16xf32>
      %add3A_259 = arith.addf %convert_element_type3A, %add3A_258 : vector<16xf32>
      tpu.vector_store_idx %arg8[%get3A_217], %add3A_259 : memref<100032xf32, #tpu.memory_space<vmem>>[vector<16xi32>], vector<16xf32>,
      %add3A_260 = arith.constant 1.600000e+02 : f32
      %add3A_261 = vector.broadcast %add3A_260 : f32 to vector<16xf32>
      %add3A_262 = arith.addf %convert_element_type3A, %add3A_261 : vector<16xf32>
      tpu.vector_store_idx %arg8[%get3A_221], %add3A_262 : memref<100032xf32, #tpu.memory_space<vmem>>[vector<16xi32>], vector<16xf32>,
      %add3A_263 = arith.constant 1.760000e+02 : f32
      %add3A_264 = vector.broadcast %add3A_263 : f32 to vector<16xf32>
      %add3A_265 = arith.addf %convert_element_type3A, %add3A_264 : vector<16xf32>
      tpu.vector_store_idx %arg8[%get3A_225], %add3A_265 : memref<100032xf32, #tpu.memory_space<vmem>>[vector<16xi32>], vector<16xf32>,
      %add3A_266 = arith.constant 1.920000e+02 : f32
      %add3A_267 = vector.broadcast %add3A_266 : f32 to vector<16xf32>
      %add3A_268 = arith.addf %convert_element_type3A, %add3A_267 : vector<16xf32>
      tpu.vector_store_idx %arg8[%get3A_229], %add3A_268 : memref<100032xf32, #tpu.memory_space<vmem>>[vector<16xi32>], vector<16xf32>,
      %gather3A = tpu.vector_load_idx %arg8[%get3A_181] : memref<100032xf32, #tpu.memory_space<vmem>>[vector<16xi32>], vector<16xf32>,
      %gather3A_269 = tpu.vector_load_idx %arg8[%get3A_185] : memref<100032xf32, #tpu.memory_space<vmem>>[vector<16xi32>], vector<16xf32>,
      %gather3A_270 = tpu.vector_load_idx %arg8[%get3A_189] : memref<100032xf32, #tpu.memory_space<vmem>>[vector<16xi32>], vector<16xf32>,
      %gather3A_271 = tpu.vector_load_idx %arg8[%get3A_193] : memref<100032xf32, #tpu.memory_space<vmem>>[vector<16xi32>], vector<16xf32>,
      %gather3A_272 = tpu.vector_load_idx %arg8[%get3A_197] : memref<100032xf32, #tpu.memory_space<vmem>>[vector<16xi32>], vector<16xf32>,
      %gather3A_273 = tpu.vector_load_idx %arg8[%get3A_201] : memref<100032xf32, #tpu.memory_space<vmem>>[vector<16xi32>], vector<16xf32>,
      %gather3A_274 = tpu.vector_load_idx %arg8[%get3A_205] : memref<100032xf32, #tpu.memory_space<vmem>>[vector<16xi32>], vector<16xf32>,
      %gather3A_275 = tpu.vector_load_idx %arg8[%get3A_209] : memref<100032xf32, #tpu.memory_space<vmem>>[vector<16xi32>], vector<16xf32>,
      %gather3A_276 = tpu.vector_load_idx %arg8[%get3A_213] : memref<100032xf32, #tpu.memory_space<vmem>>[vector<16xi32>], vector<16xf32>,
      %gather3A_277 = tpu.vector_load_idx %arg8[%get3A_217] : memref<100032xf32, #tpu.memory_space<vmem>>[vector<16xi32>], vector<16xf32>,
      %gather3A_278 = tpu.vector_load_idx %arg8[%get3A_221] : memref<100032xf32, #tpu.memory_space<vmem>>[vector<16xi32>], vector<16xf32>,
      %gather3A_279 = tpu.vector_load_idx %arg8[%get3A_225] : memref<100032xf32, #tpu.memory_space<vmem>>[vector<16xi32>], vector<16xf32>,
      %gather3A_280 = tpu.vector_load_idx %arg8[%get3A_229] : memref<100032xf32, #tpu.memory_space<vmem>>[vector<16xi32>], vector<16xf32>,
      %add3A_281 = arith.constant 0.000000e+00 : f32
      %add3A_282 = vector.broadcast %add3A_281 : f32 to vector<16xf32>
      %add3A_283 = arith.addf %convert_element_type3A, %add3A_282 : vector<16xf32>
      %eq3A_284 = arith.cmpf oeq, %gather3A, %add3A_283 : vector<16xf32>
      %select_n3A_285 = arith.select %eq3A_284, %get3A_181, %broadcast_in_dim3A_6 : vector<16xi1>, vector<16xi32>
      %add3A_286 = arith.constant 0 : i32
      %add3A_287 = arith.addi %add3A_177, %add3A_286 : i32
      %add3A_288 = vector.broadcast %add3A_287 : i32 to vector<16xi32>
      %add3A_289 = arith.addi %mul3A_5, %add3A_288 : vector<16xi32>
      tpu.vector_store_idx %arg7[%add3A_289], %select_n3A_285 : memref<13312xi32, #tpu.memory_space<vmem>>[vector<16xi32>], vector<16xi32>,
      %add3A_290 = arith.constant 1.600000e+01 : f32
      %add3A_291 = vector.broadcast %add3A_290 : f32 to vector<16xf32>
      %add3A_292 = arith.addf %convert_element_type3A, %add3A_291 : vector<16xf32>
      %eq3A_293 = arith.cmpf oeq, %gather3A_269, %add3A_292 : vector<16xf32>
      %select_n3A_294 = arith.select %eq3A_293, %get3A_185, %broadcast_in_dim3A_6 : vector<16xi1>, vector<16xi32>
      %add3A_295 = arith.constant 256 : i32
      %add3A_296 = arith.addi %add3A_177, %add3A_295 : i32
      %add3A_297 = vector.broadcast %add3A_296 : i32 to vector<16xi32>
      %add3A_298 = arith.addi %mul3A_5, %add3A_297 : vector<16xi32>
      tpu.vector_store_idx %arg7[%add3A_298], %select_n3A_294 : memref<13312xi32, #tpu.memory_space<vmem>>[vector<16xi32>], vector<16xi32>,
      %add3A_299 = arith.constant 3.200000e+01 : f32
      %add3A_300 = vector.broadcast %add3A_299 : f32 to vector<16xf32>
      %add3A_301 = arith.addf %convert_element_type3A, %add3A_300 : vector<16xf32>
      %eq3A_302 = arith.cmpf oeq, %gather3A_270, %add3A_301 : vector<16xf32>
      %select_n3A_303 = arith.select %eq3A_302, %get3A_189, %broadcast_in_dim3A_6 : vector<16xi1>, vector<16xi32>
      %add3A_304 = arith.constant 512 : i32
      %add3A_305 = arith.addi %add3A_177, %add3A_304 : i32
      %add3A_306 = vector.broadcast %add3A_305 : i32 to vector<16xi32>
      %add3A_307 = arith.addi %mul3A_5, %add3A_306 : vector<16xi32>
      tpu.vector_store_idx %arg7[%add3A_307], %select_n3A_303 : memref<13312xi32, #tpu.memory_space<vmem>>[vector<16xi32>], vector<16xi32>,
      %add3A_308 = arith.constant 4.800000e+01 : f32
      %add3A_309 = vector.broadcast %add3A_308 : f32 to vector<16xf32>
      %add3A_310 = arith.addf %convert_element_type3A, %add3A_309 : vector<16xf32>
      %eq3A_311 = arith.cmpf oeq, %gather3A_271, %add3A_310 : vector<16xf32>
      %select_n3A_312 = arith.select %eq3A_311, %get3A_193, %broadcast_in_dim3A_6 : vector<16xi1>, vector<16xi32>
      %add3A_313 = arith.constant 768 : i32
      %add3A_314 = arith.addi %add3A_177, %add3A_313 : i32
      %add3A_315 = vector.broadcast %add3A_314 : i32 to vector<16xi32>
      %add3A_316 = arith.addi %mul3A_5, %add3A_315 : vector<16xi32>
      tpu.vector_store_idx %arg7[%add3A_316], %select_n3A_312 : memref<13312xi32, #tpu.memory_space<vmem>>[vector<16xi32>], vector<16xi32>,
      %add3A_317 = arith.constant 6.400000e+01 : f32
      %add3A_318 = vector.broadcast %add3A_317 : f32 to vector<16xf32>
      %add3A_319 = arith.addf %convert_element_type3A, %add3A_318 : vector<16xf32>
      %eq3A_320 = arith.cmpf oeq, %gather3A_272, %add3A_319 : vector<16xf32>
      %select_n3A_321 = arith.select %eq3A_320, %get3A_197, %broadcast_in_dim3A_6 : vector<16xi1>, vector<16xi32>
      %add3A_322 = arith.constant 1024 : i32
      %add3A_323 = arith.addi %add3A_177, %add3A_322 : i32
      %add3A_324 = vector.broadcast %add3A_323 : i32 to vector<16xi32>
      %add3A_325 = arith.addi %mul3A_5, %add3A_324 : vector<16xi32>
      tpu.vector_store_idx %arg7[%add3A_325], %select_n3A_321 : memref<13312xi32, #tpu.memory_space<vmem>>[vector<16xi32>], vector<16xi32>,
      %add3A_326 = arith.constant 8.000000e+01 : f32
      %add3A_327 = vector.broadcast %add3A_326 : f32 to vector<16xf32>
      %add3A_328 = arith.addf %convert_element_type3A, %add3A_327 : vector<16xf32>
      %eq3A_329 = arith.cmpf oeq, %gather3A_273, %add3A_328 : vector<16xf32>
      %select_n3A_330 = arith.select %eq3A_329, %get3A_201, %broadcast_in_dim3A_6 : vector<16xi1>, vector<16xi32>
      %add3A_331 = arith.constant 1280 : i32
      %add3A_332 = arith.addi %add3A_177, %add3A_331 : i32
      %add3A_333 = vector.broadcast %add3A_332 : i32 to vector<16xi32>
      %add3A_334 = arith.addi %mul3A_5, %add3A_333 : vector<16xi32>
      tpu.vector_store_idx %arg7[%add3A_334], %select_n3A_330 : memref<13312xi32, #tpu.memory_space<vmem>>[vector<16xi32>], vector<16xi32>,
      %add3A_335 = arith.constant 9.600000e+01 : f32
      %add3A_336 = vector.broadcast %add3A_335 : f32 to vector<16xf32>
      %add3A_337 = arith.addf %convert_element_type3A, %add3A_336 : vector<16xf32>
      %eq3A_338 = arith.cmpf oeq, %gather3A_274, %add3A_337 : vector<16xf32>
      %select_n3A_339 = arith.select %eq3A_338, %get3A_205, %broadcast_in_dim3A_6 : vector<16xi1>, vector<16xi32>
      %add3A_340 = arith.constant 1536 : i32
      %add3A_341 = arith.addi %add3A_177, %add3A_340 : i32
      %add3A_342 = vector.broadcast %add3A_341 : i32 to vector<16xi32>
      %add3A_343 = arith.addi %mul3A_5, %add3A_342 : vector<16xi32>
      tpu.vector_store_idx %arg7[%add3A_343], %select_n3A_339 : memref<13312xi32, #tpu.memory_space<vmem>>[vector<16xi32>], vector<16xi32>,
      %add3A_344 = arith.constant 1.120000e+02 : f32
      %add3A_345 = vector.broadcast %add3A_344 : f32 to vector<16xf32>
      %add3A_346 = arith.addf %convert_element_type3A, %add3A_345 : vector<16xf32>
      %eq3A_347 = arith.cmpf oeq, %gather3A_275, %add3A_346 : vector<16xf32>
      %select_n3A_348 = arith.select %eq3A_347, %get3A_209, %broadcast_in_dim3A_6 : vector<16xi1>, vector<16xi32>
      %add3A_349 = arith.constant 1792 : i32
      %add3A_350 = arith.addi %add3A_177, %add3A_349 : i32
      %add3A_351 = vector.broadcast %add3A_350 : i32 to vector<16xi32>
      %add3A_352 = arith.addi %mul3A_5, %add3A_351 : vector<16xi32>
      tpu.vector_store_idx %arg7[%add3A_352], %select_n3A_348 : memref<13312xi32, #tpu.memory_space<vmem>>[vector<16xi32>], vector<16xi32>,
      %add3A_353 = arith.constant 1.280000e+02 : f32
      %add3A_354 = vector.broadcast %add3A_353 : f32 to vector<16xf32>
      %add3A_355 = arith.addf %convert_element_type3A, %add3A_354 : vector<16xf32>
      %eq3A_356 = arith.cmpf oeq, %gather3A_276, %add3A_355 : vector<16xf32>
      %select_n3A_357 = arith.select %eq3A_356, %get3A_213, %broadcast_in_dim3A_6 : vector<16xi1>, vector<16xi32>
      %add3A_358 = arith.constant 2048 : i32
      %add3A_359 = arith.addi %add3A_177, %add3A_358 : i32
      %add3A_360 = vector.broadcast %add3A_359 : i32 to vector<16xi32>
      %add3A_361 = arith.addi %mul3A_5, %add3A_360 : vector<16xi32>
      tpu.vector_store_idx %arg7[%add3A_361], %select_n3A_357 : memref<13312xi32, #tpu.memory_space<vmem>>[vector<16xi32>], vector<16xi32>,
      %add3A_362 = arith.constant 1.440000e+02 : f32
      %add3A_363 = vector.broadcast %add3A_362 : f32 to vector<16xf32>
      %add3A_364 = arith.addf %convert_element_type3A, %add3A_363 : vector<16xf32>
      %eq3A_365 = arith.cmpf oeq, %gather3A_277, %add3A_364 : vector<16xf32>
      %select_n3A_366 = arith.select %eq3A_365, %get3A_217, %broadcast_in_dim3A_6 : vector<16xi1>, vector<16xi32>
      %add3A_367 = arith.constant 2304 : i32
      %add3A_368 = arith.addi %add3A_177, %add3A_367 : i32
      %add3A_369 = vector.broadcast %add3A_368 : i32 to vector<16xi32>
      %add3A_370 = arith.addi %mul3A_5, %add3A_369 : vector<16xi32>
      tpu.vector_store_idx %arg7[%add3A_370], %select_n3A_366 : memref<13312xi32, #tpu.memory_space<vmem>>[vector<16xi32>], vector<16xi32>,
      %add3A_371 = arith.constant 1.600000e+02 : f32
      %add3A_372 = vector.broadcast %add3A_371 : f32 to vector<16xf32>
      %add3A_373 = arith.addf %convert_element_type3A, %add3A_372 : vector<16xf32>
      %eq3A_374 = arith.cmpf oeq, %gather3A_278, %add3A_373 : vector<16xf32>
      %select_n3A_375 = arith.select %eq3A_374, %get3A_221, %broadcast_in_dim3A_6 : vector<16xi1>, vector<16xi32>
      %add3A_376 = arith.constant 2560 : i32
      %add3A_377 = arith.addi %add3A_177, %add3A_376 : i32
      %add3A_378 = vector.broadcast %add3A_377 : i32 to vector<16xi32>
      %add3A_379 = arith.addi %mul3A_5, %add3A_378 : vector<16xi32>
      tpu.vector_store_idx %arg7[%add3A_379], %select_n3A_375 : memref<13312xi32, #tpu.memory_space<vmem>>[vector<16xi32>], vector<16xi32>,
      %add3A_380 = arith.constant 1.760000e+02 : f32
      %add3A_381 = vector.broadcast %add3A_380 : f32 to vector<16xf32>
      %add3A_382 = arith.addf %convert_element_type3A, %add3A_381 : vector<16xf32>
      %eq3A_383 = arith.cmpf oeq, %gather3A_279, %add3A_382 : vector<16xf32>
      %select_n3A_384 = arith.select %eq3A_383, %get3A_225, %broadcast_in_dim3A_6 : vector<16xi1>, vector<16xi32>
      %add3A_385 = arith.constant 2816 : i32
      %add3A_386 = arith.addi %add3A_177, %add3A_385 : i32
      %add3A_387 = vector.broadcast %add3A_386 : i32 to vector<16xi32>
      %add3A_388 = arith.addi %mul3A_5, %add3A_387 : vector<16xi32>
      tpu.vector_store_idx %arg7[%add3A_388], %select_n3A_384 : memref<13312xi32, #tpu.memory_space<vmem>>[vector<16xi32>], vector<16xi32>,
      %add3A_389 = arith.constant 1.920000e+02 : f32
      %add3A_390 = vector.broadcast %add3A_389 : f32 to vector<16xf32>
      %add3A_391 = arith.addf %convert_element_type3A, %add3A_390 : vector<16xf32>
      %eq3A_392 = arith.cmpf oeq, %gather3A_280, %add3A_391 : vector<16xf32>
      %select_n3A_393 = arith.select %eq3A_392, %get3A_229, %broadcast_in_dim3A_6 : vector<16xi1>, vector<16xi32>
      %add3A_394 = arith.constant 3072 : i32
      %add3A_395 = arith.addi %add3A_177, %add3A_394 : i32
      %add3A_396 = vector.broadcast %add3A_395 : i32 to vector<16xi32>
      %add3A_397 = arith.addi %mul3A_5, %add3A_396 : vector<16xi32>
      tpu.vector_store_idx %arg7[%add3A_397], %select_n3A_393 : memref<13312xi32, #tpu.memory_space<vmem>>[vector<16xi32>], vector<16xi32>,
    }
    %scan3A_11 = arith.constant 64 : i32
    "tpu.region"() ({
      %run_scoped3A = tpu.sem_alloc : memref<!tpu.dma_semaphore, #tpu.memory_space<semaphore_mem>>
      tpu.enqueue_dma source(%arg3 : memref<100032xf32, #tpu.memory_space<hbm>>) target(%arg8 : memref<100032xf32, #tpu.memory_space<vmem>>) target_semaphore(%run_scoped3A : memref<!tpu.dma_semaphore, #tpu.memory_space<semaphore_mem>>)
      tpu.wait_dma2 semaphore(%run_scoped3A : memref<!tpu.dma_semaphore, #tpu.memory_space<semaphore_mem>>) src(%arg3 : memref<100032xf32, #tpu.memory_space<hbm>>) dst(%arg8 : memref<100032xf32, #tpu.memory_space<vmem>>)
      tpu.yield
    }) : () -> ()
    %get3A = arith.constant 0 : index
    %get3A_12 = tpu.vector_load %arg10[%get3A] {strides = array<i32>} : memref<16xf32, #tpu.memory_space<vmem>>, vector<16xf32>,
    %broadcast_in_dim3A_13 = arith.constant 0.000000e+00 : f32
    %broadcast_in_dim3A_14 = vector.broadcast %broadcast_in_dim3A_13 : f32 to vector<16xf32>
    %broadcast_in_dim3A_15 = arith.constant 0.000000e+00 : f32
    %broadcast_in_dim3A_16 = vector.broadcast %broadcast_in_dim3A_15 : f32 to vector<16xf32>
    %broadcast_in_dim3A_17 = arith.constant 0.000000e+00 : f32
    %broadcast_in_dim3A_18 = vector.broadcast %broadcast_in_dim3A_17 : f32 to vector<16xf32>
    %broadcast_in_dim3A_19 = arith.constant 0.000000e+00 : f32
    %broadcast_in_dim3A_20 = vector.broadcast %broadcast_in_dim3A_19 : f32 to vector<16xf32>
    %broadcast_in_dim3A_21 = arith.constant 0.000000e+00 : f32
    %broadcast_in_dim3A_22 = vector.broadcast %broadcast_in_dim3A_21 : f32 to vector<16xf32>
    %broadcast_in_dim3A_23 = arith.constant 0.000000e+00 : f32
    %broadcast_in_dim3A_24 = vector.broadcast %broadcast_in_dim3A_23 : f32 to vector<16xf32>
    %broadcast_in_dim3A_25 = arith.constant 0.000000e+00 : f32
    %broadcast_in_dim3A_26 = vector.broadcast %broadcast_in_dim3A_25 : f32 to vector<16xf32>
    %broadcast_in_dim3A_27 = arith.constant 0.000000e+00 : f32
    %broadcast_in_dim3A_28 = vector.broadcast %broadcast_in_dim3A_27 : f32 to vector<16xf32>
    %scan3A_29 = arith.constant 0 : i32
    %scan3A_30 = arith.constant 26 : i32
    %scan3A_31 = arith.addi %scan3A_29, %scan3A_30 : i32
    %scan3A_32 = arith.constant 1 : i32
    %scan3A_33:8 = scf.for %scan3A_142 = %scan3A_29 to %scan3A_31 step %scan3A_32 iter_args(%scan3A_143 = %broadcast_in_dim3A_14, %scan3A_144 = %broadcast_in_dim3A_16, %scan3A_145 = %broadcast_in_dim3A_18, %scan3A_146 = %broadcast_in_dim3A_20, %scan3A_147 = %broadcast_in_dim3A_22, %scan3A_148 = %broadcast_in_dim3A_24, %scan3A_149 = %broadcast_in_dim3A_26, %scan3A_150 = %broadcast_in_dim3A_28) -> (vector<16xf32>, vector<16xf32>, vector<16xf32>, vector<16xf32>, vector<16xf32>, vector<16xf32>, vector<16xf32>, vector<16xf32>)  : i32 {
      %mul3A_151 = arith.constant 8 : i32
      %mul3A_152 = arith.muli %scan3A_142, %mul3A_151 : i32
      %add3A_153 = arith.constant 0 : i32
      %add3A_154 = arith.addi %mul3A_152, %add3A_153 : i32
      %mul3A_155 = arith.constant 16 : i32
      %mul3A_156 = arith.muli %add3A_154, %mul3A_155 : i32
      %add3A_157 = arith.constant 0 : i32
      %add3A_158 = arith.addi %add3A_157, %mul3A_156 : i32
      %get3A_159 = arith.index_cast %add3A_158 : i32 to index
      %get3A_160 = tpu.vector_load %arg7[%get3A_159] {strides = array<i32>} : memref<13312xi32, #tpu.memory_space<vmem>>, vector<16xi32>,
      %gather3A = tpu.vector_load_idx %arg8[%get3A_160] : memref<100032xf32, #tpu.memory_space<vmem>>[vector<16xi32>], vector<16xf32>,
      %add3A_161 = arith.addf %scan3A_143, %gather3A : vector<16xf32>
      %mul3A_162 = arith.constant 8 : i32
      %mul3A_163 = arith.muli %scan3A_142, %mul3A_162 : i32
      %add3A_164 = arith.constant 1 : i32
      %add3A_165 = arith.addi %mul3A_163, %add3A_164 : i32
      %mul3A_166 = arith.constant 16 : i32
      %mul3A_167 = arith.muli %add3A_165, %mul3A_166 : i32
      %add3A_168 = arith.constant 0 : i32
      %add3A_169 = arith.addi %add3A_168, %mul3A_167 : i32
      %get3A_170 = arith.index_cast %add3A_169 : i32 to index
      %get3A_171 = tpu.vector_load %arg7[%get3A_170] {strides = array<i32>} : memref<13312xi32, #tpu.memory_space<vmem>>, vector<16xi32>,
      %gather3A_172 = tpu.vector_load_idx %arg8[%get3A_171] : memref<100032xf32, #tpu.memory_space<vmem>>[vector<16xi32>], vector<16xf32>,
      %add3A_173 = arith.addf %scan3A_144, %gather3A_172 : vector<16xf32>
      %mul3A_174 = arith.constant 8 : i32
      %mul3A_175 = arith.muli %scan3A_142, %mul3A_174 : i32
      %add3A_176 = arith.constant 2 : i32
      %add3A_177 = arith.addi %mul3A_175, %add3A_176 : i32
      %mul3A_178 = arith.constant 16 : i32
      %mul3A_179 = arith.muli %add3A_177, %mul3A_178 : i32
      %add3A_180 = arith.constant 0 : i32
      %add3A_181 = arith.addi %add3A_180, %mul3A_179 : i32
      %get3A_182 = arith.index_cast %add3A_181 : i32 to index
      %get3A_183 = tpu.vector_load %arg7[%get3A_182] {strides = array<i32>} : memref<13312xi32, #tpu.memory_space<vmem>>, vector<16xi32>,
      %gather3A_184 = tpu.vector_load_idx %arg8[%get3A_183] : memref<100032xf32, #tpu.memory_space<vmem>>[vector<16xi32>], vector<16xf32>,
      %add3A_185 = arith.addf %scan3A_145, %gather3A_184 : vector<16xf32>
      %mul3A_186 = arith.constant 8 : i32
      %mul3A_187 = arith.muli %scan3A_142, %mul3A_186 : i32
      %add3A_188 = arith.constant 3 : i32
      %add3A_189 = arith.addi %mul3A_187, %add3A_188 : i32
      %mul3A_190 = arith.constant 16 : i32
      %mul3A_191 = arith.muli %add3A_189, %mul3A_190 : i32
      %add3A_192 = arith.constant 0 : i32
      %add3A_193 = arith.addi %add3A_192, %mul3A_191 : i32
      %get3A_194 = arith.index_cast %add3A_193 : i32 to index
      %get3A_195 = tpu.vector_load %arg7[%get3A_194] {strides = array<i32>} : memref<13312xi32, #tpu.memory_space<vmem>>, vector<16xi32>,
      %gather3A_196 = tpu.vector_load_idx %arg8[%get3A_195] : memref<100032xf32, #tpu.memory_space<vmem>>[vector<16xi32>], vector<16xf32>,
      %add3A_197 = arith.addf %scan3A_146, %gather3A_196 : vector<16xf32>
      %mul3A_198 = arith.constant 8 : i32
      %mul3A_199 = arith.muli %scan3A_142, %mul3A_198 : i32
      %add3A_200 = arith.constant 4 : i32
      %add3A_201 = arith.addi %mul3A_199, %add3A_200 : i32
      %mul3A_202 = arith.constant 16 : i32
      %mul3A_203 = arith.muli %add3A_201, %mul3A_202 : i32
      %add3A_204 = arith.constant 0 : i32
      %add3A_205 = arith.addi %add3A_204, %mul3A_203 : i32
      %get3A_206 = arith.index_cast %add3A_205 : i32 to index
      %get3A_207 = tpu.vector_load %arg7[%get3A_206] {strides = array<i32>} : memref<13312xi32, #tpu.memory_space<vmem>>, vector<16xi32>,
      %gather3A_208 = tpu.vector_load_idx %arg8[%get3A_207] : memref<100032xf32, #tpu.memory_space<vmem>>[vector<16xi32>], vector<16xf32>,
      %add3A_209 = arith.addf %scan3A_147, %gather3A_208 : vector<16xf32>
      %mul3A_210 = arith.constant 8 : i32
      %mul3A_211 = arith.muli %scan3A_142, %mul3A_210 : i32
      %add3A_212 = arith.constant 5 : i32
      %add3A_213 = arith.addi %mul3A_211, %add3A_212 : i32
      %mul3A_214 = arith.constant 16 : i32
      %mul3A_215 = arith.muli %add3A_213, %mul3A_214 : i32
      %add3A_216 = arith.constant 0 : i32
      %add3A_217 = arith.addi %add3A_216, %mul3A_215 : i32
      %get3A_218 = arith.index_cast %add3A_217 : i32 to index
      %get3A_219 = tpu.vector_load %arg7[%get3A_218] {strides = array<i32>} : memref<13312xi32, #tpu.memory_space<vmem>>, vector<16xi32>,
      %gather3A_220 = tpu.vector_load_idx %arg8[%get3A_219] : memref<100032xf32, #tpu.memory_space<vmem>>[vector<16xi32>], vector<16xf32>,
      %add3A_221 = arith.addf %scan3A_148, %gather3A_220 : vector<16xf32>
      %mul3A_222 = arith.constant 8 : i32
      %mul3A_223 = arith.muli %scan3A_142, %mul3A_222 : i32
      %add3A_224 = arith.constant 6 : i32
      %add3A_225 = arith.addi %mul3A_223, %add3A_224 : i32
      %mul3A_226 = arith.constant 16 : i32
      %mul3A_227 = arith.muli %add3A_225, %mul3A_226 : i32
      %add3A_228 = arith.constant 0 : i32
      %add3A_229 = arith.addi %add3A_228, %mul3A_227 : i32
      %get3A_230 = arith.index_cast %add3A_229 : i32 to index
      %get3A_231 = tpu.vector_load %arg7[%get3A_230] {strides = array<i32>} : memref<13312xi32, #tpu.memory_space<vmem>>, vector<16xi32>,
      %gather3A_232 = tpu.vector_load_idx %arg8[%get3A_231] : memref<100032xf32, #tpu.memory_space<vmem>>[vector<16xi32>], vector<16xf32>,
      %add3A_233 = arith.addf %scan3A_149, %gather3A_232 : vector<16xf32>
      %mul3A_234 = arith.constant 8 : i32
      %mul3A_235 = arith.muli %scan3A_142, %mul3A_234 : i32
      %add3A_236 = arith.constant 7 : i32
      %add3A_237 = arith.addi %mul3A_235, %add3A_236 : i32
      %mul3A_238 = arith.constant 16 : i32
      %mul3A_239 = arith.muli %add3A_237, %mul3A_238 : i32
      %add3A_240 = arith.constant 0 : i32
      %add3A_241 = arith.addi %add3A_240, %mul3A_239 : i32
      %get3A_242 = arith.index_cast %add3A_241 : i32 to index
      %get3A_243 = tpu.vector_load %arg7[%get3A_242] {strides = array<i32>} : memref<13312xi32, #tpu.memory_space<vmem>>, vector<16xi32>,
      %gather3A_244 = tpu.vector_load_idx %arg8[%get3A_243] : memref<100032xf32, #tpu.memory_space<vmem>>[vector<16xi32>], vector<16xf32>,
      %add3A_245 = arith.addf %scan3A_150, %gather3A_244 : vector<16xf32>
      scf.yield %add3A_161, %add3A_173, %add3A_185, %add3A_197, %add3A_209, %add3A_221, %add3A_233, %add3A_245 : vector<16xf32>, vector<16xf32>, vector<16xf32>, vector<16xf32>, vector<16xf32>, vector<16xf32>, vector<16xf32>, vector<16xf32>
    }
    %scan3A_34 = arith.constant 26 : i32
    %add3A_35 = arith.addf %scan3A_33#0, %scan3A_33#1 : vector<16xf32>
    %add3A_36 = arith.addf %scan3A_33#2, %scan3A_33#3 : vector<16xf32>
    %add3A_37 = arith.addf %scan3A_33#4, %scan3A_33#5 : vector<16xf32>
    %add3A_38 = arith.addf %scan3A_33#6, %scan3A_33#7 : vector<16xf32>
    %add3A_39 = arith.addf %add3A_35, %add3A_36 : vector<16xf32>
    %add3A_40 = arith.addf %add3A_37, %add3A_38 : vector<16xf32>
    %add3A_41 = arith.addf %add3A_39, %add3A_40 : vector<16xf32>
    %add3A_42 = arith.addf %add3A_41, %get3A_12 : vector<16xf32>
    %swap3A = arith.constant 0 : index
    %swap3A_43 = tpu.vector_load %arg9[%swap3A] {strides = array<i32>} : memref<64xf32, #tpu.memory_space<vmem>>, vector<16xf32>,
    tpu.vector_store %arg9[%swap3A], %add3A_42 {strides = array<i32>} : memref<64xf32, #tpu.memory_space<vmem>>, vector<16xf32>,
    %broadcast_in_dim3A_44 = arith.constant 0.000000e+00 : f32
    %broadcast_in_dim3A_45 = vector.broadcast %broadcast_in_dim3A_44 : f32 to vector<16xf32>
    %broadcast_in_dim3A_46 = arith.constant 0.000000e+00 : f32
    %broadcast_in_dim3A_47 = vector.broadcast %broadcast_in_dim3A_46 : f32 to vector<16xf32>
    %broadcast_in_dim3A_48 = arith.constant 0.000000e+00 : f32
    %broadcast_in_dim3A_49 = vector.broadcast %broadcast_in_dim3A_48 : f32 to vector<16xf32>
    %broadcast_in_dim3A_50 = arith.constant 0.000000e+00 : f32
    %broadcast_in_dim3A_51 = vector.broadcast %broadcast_in_dim3A_50 : f32 to vector<16xf32>
    %broadcast_in_dim3A_52 = arith.constant 0.000000e+00 : f32
    %broadcast_in_dim3A_53 = vector.broadcast %broadcast_in_dim3A_52 : f32 to vector<16xf32>
    %broadcast_in_dim3A_54 = arith.constant 0.000000e+00 : f32
    %broadcast_in_dim3A_55 = vector.broadcast %broadcast_in_dim3A_54 : f32 to vector<16xf32>
    %broadcast_in_dim3A_56 = arith.constant 0.000000e+00 : f32
    %broadcast_in_dim3A_57 = vector.broadcast %broadcast_in_dim3A_56 : f32 to vector<16xf32>
    %broadcast_in_dim3A_58 = arith.constant 0.000000e+00 : f32
    %broadcast_in_dim3A_59 = vector.broadcast %broadcast_in_dim3A_58 : f32 to vector<16xf32>
    %scan3A_60 = arith.constant 0 : i32
    %scan3A_61 = arith.constant 26 : i32
    %scan3A_62 = arith.addi %scan3A_60, %scan3A_61 : i32
    %scan3A_63 = arith.constant 1 : i32
    %scan3A_64:8 = scf.for %scan3A_142 = %scan3A_60 to %scan3A_62 step %scan3A_63 iter_args(%scan3A_143 = %broadcast_in_dim3A_45, %scan3A_144 = %broadcast_in_dim3A_47, %scan3A_145 = %broadcast_in_dim3A_49, %scan3A_146 = %broadcast_in_dim3A_51, %scan3A_147 = %broadcast_in_dim3A_53, %scan3A_148 = %broadcast_in_dim3A_55, %scan3A_149 = %broadcast_in_dim3A_57, %scan3A_150 = %broadcast_in_dim3A_59) -> (vector<16xf32>, vector<16xf32>, vector<16xf32>, vector<16xf32>, vector<16xf32>, vector<16xf32>, vector<16xf32>, vector<16xf32>)  : i32 {
      %mul3A_151 = arith.constant 8 : i32
      %mul3A_152 = arith.muli %scan3A_142, %mul3A_151 : i32
      %add3A_153 = arith.constant 0 : i32
      %add3A_154 = arith.addi %mul3A_152, %add3A_153 : i32
      %mul3A_155 = arith.constant 16 : i32
      %mul3A_156 = arith.muli %add3A_154, %mul3A_155 : i32
      %add3A_157 = arith.constant 3328 : i32
      %add3A_158 = arith.addi %add3A_157, %mul3A_156 : i32
      %get3A_159 = arith.index_cast %add3A_158 : i32 to index
      %get3A_160 = tpu.vector_load %arg7[%get3A_159] {strides = array<i32>} : memref<13312xi32, #tpu.memory_space<vmem>>, vector<16xi32>,
      %gather3A = tpu.vector_load_idx %arg8[%get3A_160] : memref<100032xf32, #tpu.memory_space<vmem>>[vector<16xi32>], vector<16xf32>,
      %add3A_161 = arith.addf %scan3A_143, %gather3A : vector<16xf32>
      %mul3A_162 = arith.constant 8 : i32
      %mul3A_163 = arith.muli %scan3A_142, %mul3A_162 : i32
      %add3A_164 = arith.constant 1 : i32
      %add3A_165 = arith.addi %mul3A_163, %add3A_164 : i32
      %mul3A_166 = arith.constant 16 : i32
      %mul3A_167 = arith.muli %add3A_165, %mul3A_166 : i32
      %add3A_168 = arith.constant 3328 : i32
      %add3A_169 = arith.addi %add3A_168, %mul3A_167 : i32
      %get3A_170 = arith.index_cast %add3A_169 : i32 to index
      %get3A_171 = tpu.vector_load %arg7[%get3A_170] {strides = array<i32>} : memref<13312xi32, #tpu.memory_space<vmem>>, vector<16xi32>,
      %gather3A_172 = tpu.vector_load_idx %arg8[%get3A_171] : memref<100032xf32, #tpu.memory_space<vmem>>[vector<16xi32>], vector<16xf32>,
      %add3A_173 = arith.addf %scan3A_144, %gather3A_172 : vector<16xf32>
      %mul3A_174 = arith.constant 8 : i32
      %mul3A_175 = arith.muli %scan3A_142, %mul3A_174 : i32
      %add3A_176 = arith.constant 2 : i32
      %add3A_177 = arith.addi %mul3A_175, %add3A_176 : i32
      %mul3A_178 = arith.constant 16 : i32
      %mul3A_179 = arith.muli %add3A_177, %mul3A_178 : i32
      %add3A_180 = arith.constant 3328 : i32
      %add3A_181 = arith.addi %add3A_180, %mul3A_179 : i32
      %get3A_182 = arith.index_cast %add3A_181 : i32 to index
      %get3A_183 = tpu.vector_load %arg7[%get3A_182] {strides = array<i32>} : memref<13312xi32, #tpu.memory_space<vmem>>, vector<16xi32>,
      %gather3A_184 = tpu.vector_load_idx %arg8[%get3A_183] : memref<100032xf32, #tpu.memory_space<vmem>>[vector<16xi32>], vector<16xf32>,
      %add3A_185 = arith.addf %scan3A_145, %gather3A_184 : vector<16xf32>
      %mul3A_186 = arith.constant 8 : i32
      %mul3A_187 = arith.muli %scan3A_142, %mul3A_186 : i32
      %add3A_188 = arith.constant 3 : i32
      %add3A_189 = arith.addi %mul3A_187, %add3A_188 : i32
      %mul3A_190 = arith.constant 16 : i32
      %mul3A_191 = arith.muli %add3A_189, %mul3A_190 : i32
      %add3A_192 = arith.constant 3328 : i32
      %add3A_193 = arith.addi %add3A_192, %mul3A_191 : i32
      %get3A_194 = arith.index_cast %add3A_193 : i32 to index
      %get3A_195 = tpu.vector_load %arg7[%get3A_194] {strides = array<i32>} : memref<13312xi32, #tpu.memory_space<vmem>>, vector<16xi32>,
      %gather3A_196 = tpu.vector_load_idx %arg8[%get3A_195] : memref<100032xf32, #tpu.memory_space<vmem>>[vector<16xi32>], vector<16xf32>,
      %add3A_197 = arith.addf %scan3A_146, %gather3A_196 : vector<16xf32>
      %mul3A_198 = arith.constant 8 : i32
      %mul3A_199 = arith.muli %scan3A_142, %mul3A_198 : i32
      %add3A_200 = arith.constant 4 : i32
      %add3A_201 = arith.addi %mul3A_199, %add3A_200 : i32
      %mul3A_202 = arith.constant 16 : i32
      %mul3A_203 = arith.muli %add3A_201, %mul3A_202 : i32
      %add3A_204 = arith.constant 3328 : i32
      %add3A_205 = arith.addi %add3A_204, %mul3A_203 : i32
      %get3A_206 = arith.index_cast %add3A_205 : i32 to index
      %get3A_207 = tpu.vector_load %arg7[%get3A_206] {strides = array<i32>} : memref<13312xi32, #tpu.memory_space<vmem>>, vector<16xi32>,
      %gather3A_208 = tpu.vector_load_idx %arg8[%get3A_207] : memref<100032xf32, #tpu.memory_space<vmem>>[vector<16xi32>], vector<16xf32>,
      %add3A_209 = arith.addf %scan3A_147, %gather3A_208 : vector<16xf32>
      %mul3A_210 = arith.constant 8 : i32
      %mul3A_211 = arith.muli %scan3A_142, %mul3A_210 : i32
      %add3A_212 = arith.constant 5 : i32
      %add3A_213 = arith.addi %mul3A_211, %add3A_212 : i32
      %mul3A_214 = arith.constant 16 : i32
      %mul3A_215 = arith.muli %add3A_213, %mul3A_214 : i32
      %add3A_216 = arith.constant 3328 : i32
      %add3A_217 = arith.addi %add3A_216, %mul3A_215 : i32
      %get3A_218 = arith.index_cast %add3A_217 : i32 to index
      %get3A_219 = tpu.vector_load %arg7[%get3A_218] {strides = array<i32>} : memref<13312xi32, #tpu.memory_space<vmem>>, vector<16xi32>,
      %gather3A_220 = tpu.vector_load_idx %arg8[%get3A_219] : memref<100032xf32, #tpu.memory_space<vmem>>[vector<16xi32>], vector<16xf32>,
      %add3A_221 = arith.addf %scan3A_148, %gather3A_220 : vector<16xf32>
      %mul3A_222 = arith.constant 8 : i32
      %mul3A_223 = arith.muli %scan3A_142, %mul3A_222 : i32
      %add3A_224 = arith.constant 6 : i32
      %add3A_225 = arith.addi %mul3A_223, %add3A_224 : i32
      %mul3A_226 = arith.constant 16 : i32
      %mul3A_227 = arith.muli %add3A_225, %mul3A_226 : i32
      %add3A_228 = arith.constant 3328 : i32
      %add3A_229 = arith.addi %add3A_228, %mul3A_227 : i32
      %get3A_230 = arith.index_cast %add3A_229 : i32 to index
      %get3A_231 = tpu.vector_load %arg7[%get3A_230] {strides = array<i32>} : memref<13312xi32, #tpu.memory_space<vmem>>, vector<16xi32>,
      %gather3A_232 = tpu.vector_load_idx %arg8[%get3A_231] : memref<100032xf32, #tpu.memory_space<vmem>>[vector<16xi32>], vector<16xf32>,
      %add3A_233 = arith.addf %scan3A_149, %gather3A_232 : vector<16xf32>
      %mul3A_234 = arith.constant 8 : i32
      %mul3A_235 = arith.muli %scan3A_142, %mul3A_234 : i32
      %add3A_236 = arith.constant 7 : i32
      %add3A_237 = arith.addi %mul3A_235, %add3A_236 : i32
      %mul3A_238 = arith.constant 16 : i32
      %mul3A_239 = arith.muli %add3A_237, %mul3A_238 : i32
      %add3A_240 = arith.constant 3328 : i32
      %add3A_241 = arith.addi %add3A_240, %mul3A_239 : i32
      %get3A_242 = arith.index_cast %add3A_241 : i32 to index
      %get3A_243 = tpu.vector_load %arg7[%get3A_242] {strides = array<i32>} : memref<13312xi32, #tpu.memory_space<vmem>>, vector<16xi32>,
      %gather3A_244 = tpu.vector_load_idx %arg8[%get3A_243] : memref<100032xf32, #tpu.memory_space<vmem>>[vector<16xi32>], vector<16xf32>,
      %add3A_245 = arith.addf %scan3A_150, %gather3A_244 : vector<16xf32>
      scf.yield %add3A_161, %add3A_173, %add3A_185, %add3A_197, %add3A_209, %add3A_221, %add3A_233, %add3A_245 : vector<16xf32>, vector<16xf32>, vector<16xf32>, vector<16xf32>, vector<16xf32>, vector<16xf32>, vector<16xf32>, vector<16xf32>
    }
    %scan3A_65 = arith.constant 26 : i32
    %add3A_66 = arith.addf %scan3A_64#0, %scan3A_64#1 : vector<16xf32>
    %add3A_67 = arith.addf %scan3A_64#2, %scan3A_64#3 : vector<16xf32>
    %add3A_68 = arith.addf %scan3A_64#4, %scan3A_64#5 : vector<16xf32>
    %add3A_69 = arith.addf %scan3A_64#6, %scan3A_64#7 : vector<16xf32>
    %add3A_70 = arith.addf %add3A_66, %add3A_67 : vector<16xf32>
    %add3A_71 = arith.addf %add3A_68, %add3A_69 : vector<16xf32>
    %add3A_72 = arith.addf %add3A_70, %add3A_71 : vector<16xf32>
    %add3A_73 = arith.addf %add3A_72, %get3A_12 : vector<16xf32>
    %swap3A_74 = arith.constant 16 : index
    %swap3A_75 = tpu.vector_load %arg9[%swap3A_74] {strides = array<i32>} : memref<64xf32, #tpu.memory_space<vmem>>, vector<16xf32>,
    tpu.vector_store %arg9[%swap3A_74], %add3A_73 {strides = array<i32>} : memref<64xf32, #tpu.memory_space<vmem>>, vector<16xf32>,
    %broadcast_in_dim3A_76 = arith.constant 0.000000e+00 : f32
    %broadcast_in_dim3A_77 = vector.broadcast %broadcast_in_dim3A_76 : f32 to vector<16xf32>
    %broadcast_in_dim3A_78 = arith.constant 0.000000e+00 : f32
    %broadcast_in_dim3A_79 = vector.broadcast %broadcast_in_dim3A_78 : f32 to vector<16xf32>
    %broadcast_in_dim3A_80 = arith.constant 0.000000e+00 : f32
    %broadcast_in_dim3A_81 = vector.broadcast %broadcast_in_dim3A_80 : f32 to vector<16xf32>
    %broadcast_in_dim3A_82 = arith.constant 0.000000e+00 : f32
    %broadcast_in_dim3A_83 = vector.broadcast %broadcast_in_dim3A_82 : f32 to vector<16xf32>
    %broadcast_in_dim3A_84 = arith.constant 0.000000e+00 : f32
    %broadcast_in_dim3A_85 = vector.broadcast %broadcast_in_dim3A_84 : f32 to vector<16xf32>
    %broadcast_in_dim3A_86 = arith.constant 0.000000e+00 : f32
    %broadcast_in_dim3A_87 = vector.broadcast %broadcast_in_dim3A_86 : f32 to vector<16xf32>
    %broadcast_in_dim3A_88 = arith.constant 0.000000e+00 : f32
    %broadcast_in_dim3A_89 = vector.broadcast %broadcast_in_dim3A_88 : f32 to vector<16xf32>
    %broadcast_in_dim3A_90 = arith.constant 0.000000e+00 : f32
    %broadcast_in_dim3A_91 = vector.broadcast %broadcast_in_dim3A_90 : f32 to vector<16xf32>
    %scan3A_92 = arith.constant 0 : i32
    %scan3A_93 = arith.constant 26 : i32
    %scan3A_94 = arith.addi %scan3A_92, %scan3A_93 : i32
    %scan3A_95 = arith.constant 1 : i32
    %scan3A_96:8 = scf.for %scan3A_142 = %scan3A_92 to %scan3A_94 step %scan3A_95 iter_args(%scan3A_143 = %broadcast_in_dim3A_77, %scan3A_144 = %broadcast_in_dim3A_79, %scan3A_145 = %broadcast_in_dim3A_81, %scan3A_146 = %broadcast_in_dim3A_83, %scan3A_147 = %broadcast_in_dim3A_85, %scan3A_148 = %broadcast_in_dim3A_87, %scan3A_149 = %broadcast_in_dim3A_89, %scan3A_150 = %broadcast_in_dim3A_91) -> (vector<16xf32>, vector<16xf32>, vector<16xf32>, vector<16xf32>, vector<16xf32>, vector<16xf32>, vector<16xf32>, vector<16xf32>)  : i32 {
      %mul3A_151 = arith.constant 8 : i32
      %mul3A_152 = arith.muli %scan3A_142, %mul3A_151 : i32
      %add3A_153 = arith.constant 0 : i32
      %add3A_154 = arith.addi %mul3A_152, %add3A_153 : i32
      %mul3A_155 = arith.constant 16 : i32
      %mul3A_156 = arith.muli %add3A_154, %mul3A_155 : i32
      %add3A_157 = arith.constant 6656 : i32
      %add3A_158 = arith.addi %add3A_157, %mul3A_156 : i32
      %get3A_159 = arith.index_cast %add3A_158 : i32 to index
      %get3A_160 = tpu.vector_load %arg7[%get3A_159] {strides = array<i32>} : memref<13312xi32, #tpu.memory_space<vmem>>, vector<16xi32>,
      %gather3A = tpu.vector_load_idx %arg8[%get3A_160] : memref<100032xf32, #tpu.memory_space<vmem>>[vector<16xi32>], vector<16xf32>,
      %add3A_161 = arith.addf %scan3A_143, %gather3A : vector<16xf32>
      %mul3A_162 = arith.constant 8 : i32
      %mul3A_163 = arith.muli %scan3A_142, %mul3A_162 : i32
      %add3A_164 = arith.constant 1 : i32
      %add3A_165 = arith.addi %mul3A_163, %add3A_164 : i32
      %mul3A_166 = arith.constant 16 : i32
      %mul3A_167 = arith.muli %add3A_165, %mul3A_166 : i32
      %add3A_168 = arith.constant 6656 : i32
      %add3A_169 = arith.addi %add3A_168, %mul3A_167 : i32
      %get3A_170 = arith.index_cast %add3A_169 : i32 to index
      %get3A_171 = tpu.vector_load %arg7[%get3A_170] {strides = array<i32>} : memref<13312xi32, #tpu.memory_space<vmem>>, vector<16xi32>,
      %gather3A_172 = tpu.vector_load_idx %arg8[%get3A_171] : memref<100032xf32, #tpu.memory_space<vmem>>[vector<16xi32>], vector<16xf32>,
      %add3A_173 = arith.addf %scan3A_144, %gather3A_172 : vector<16xf32>
      %mul3A_174 = arith.constant 8 : i32
      %mul3A_175 = arith.muli %scan3A_142, %mul3A_174 : i32
      %add3A_176 = arith.constant 2 : i32
      %add3A_177 = arith.addi %mul3A_175, %add3A_176 : i32
      %mul3A_178 = arith.constant 16 : i32
      %mul3A_179 = arith.muli %add3A_177, %mul3A_178 : i32
      %add3A_180 = arith.constant 6656 : i32
      %add3A_181 = arith.addi %add3A_180, %mul3A_179 : i32
      %get3A_182 = arith.index_cast %add3A_181 : i32 to index
      %get3A_183 = tpu.vector_load %arg7[%get3A_182] {strides = array<i32>} : memref<13312xi32, #tpu.memory_space<vmem>>, vector<16xi32>,
      %gather3A_184 = tpu.vector_load_idx %arg8[%get3A_183] : memref<100032xf32, #tpu.memory_space<vmem>>[vector<16xi32>], vector<16xf32>,
      %add3A_185 = arith.addf %scan3A_145, %gather3A_184 : vector<16xf32>
      %mul3A_186 = arith.constant 8 : i32
      %mul3A_187 = arith.muli %scan3A_142, %mul3A_186 : i32
      %add3A_188 = arith.constant 3 : i32
      %add3A_189 = arith.addi %mul3A_187, %add3A_188 : i32
      %mul3A_190 = arith.constant 16 : i32
      %mul3A_191 = arith.muli %add3A_189, %mul3A_190 : i32
      %add3A_192 = arith.constant 6656 : i32
      %add3A_193 = arith.addi %add3A_192, %mul3A_191 : i32
      %get3A_194 = arith.index_cast %add3A_193 : i32 to index
      %get3A_195 = tpu.vector_load %arg7[%get3A_194] {strides = array<i32>} : memref<13312xi32, #tpu.memory_space<vmem>>, vector<16xi32>,
      %gather3A_196 = tpu.vector_load_idx %arg8[%get3A_195] : memref<100032xf32, #tpu.memory_space<vmem>>[vector<16xi32>], vector<16xf32>,
      %add3A_197 = arith.addf %scan3A_146, %gather3A_196 : vector<16xf32>
      %mul3A_198 = arith.constant 8 : i32
      %mul3A_199 = arith.muli %scan3A_142, %mul3A_198 : i32
      %add3A_200 = arith.constant 4 : i32
      %add3A_201 = arith.addi %mul3A_199, %add3A_200 : i32
      %mul3A_202 = arith.constant 16 : i32
      %mul3A_203 = arith.muli %add3A_201, %mul3A_202 : i32
      %add3A_204 = arith.constant 6656 : i32
      %add3A_205 = arith.addi %add3A_204, %mul3A_203 : i32
      %get3A_206 = arith.index_cast %add3A_205 : i32 to index
      %get3A_207 = tpu.vector_load %arg7[%get3A_206] {strides = array<i32>} : memref<13312xi32, #tpu.memory_space<vmem>>, vector<16xi32>,
      %gather3A_208 = tpu.vector_load_idx %arg8[%get3A_207] : memref<100032xf32, #tpu.memory_space<vmem>>[vector<16xi32>], vector<16xf32>,
      %add3A_209 = arith.addf %scan3A_147, %gather3A_208 : vector<16xf32>
      %mul3A_210 = arith.constant 8 : i32
      %mul3A_211 = arith.muli %scan3A_142, %mul3A_210 : i32
      %add3A_212 = arith.constant 5 : i32
      %add3A_213 = arith.addi %mul3A_211, %add3A_212 : i32
      %mul3A_214 = arith.constant 16 : i32
      %mul3A_215 = arith.muli %add3A_213, %mul3A_214 : i32
      %add3A_216 = arith.constant 6656 : i32
      %add3A_217 = arith.addi %add3A_216, %mul3A_215 : i32
      %get3A_218 = arith.index_cast %add3A_217 : i32 to index
      %get3A_219 = tpu.vector_load %arg7[%get3A_218] {strides = array<i32>} : memref<13312xi32, #tpu.memory_space<vmem>>, vector<16xi32>,
      %gather3A_220 = tpu.vector_load_idx %arg8[%get3A_219] : memref<100032xf32, #tpu.memory_space<vmem>>[vector<16xi32>], vector<16xf32>,
      %add3A_221 = arith.addf %scan3A_148, %gather3A_220 : vector<16xf32>
      %mul3A_222 = arith.constant 8 : i32
      %mul3A_223 = arith.muli %scan3A_142, %mul3A_222 : i32
      %add3A_224 = arith.constant 6 : i32
      %add3A_225 = arith.addi %mul3A_223, %add3A_224 : i32
      %mul3A_226 = arith.constant 16 : i32
      %mul3A_227 = arith.muli %add3A_225, %mul3A_226 : i32
      %add3A_228 = arith.constant 6656 : i32
      %add3A_229 = arith.addi %add3A_228, %mul3A_227 : i32
      %get3A_230 = arith.index_cast %add3A_229 : i32 to index
      %get3A_231 = tpu.vector_load %arg7[%get3A_230] {strides = array<i32>} : memref<13312xi32, #tpu.memory_space<vmem>>, vector<16xi32>,
      %gather3A_232 = tpu.vector_load_idx %arg8[%get3A_231] : memref<100032xf32, #tpu.memory_space<vmem>>[vector<16xi32>], vector<16xf32>,
      %add3A_233 = arith.addf %scan3A_149, %gather3A_232 : vector<16xf32>
      %mul3A_234 = arith.constant 8 : i32
      %mul3A_235 = arith.muli %scan3A_142, %mul3A_234 : i32
      %add3A_236 = arith.constant 7 : i32
      %add3A_237 = arith.addi %mul3A_235, %add3A_236 : i32
      %mul3A_238 = arith.constant 16 : i32
      %mul3A_239 = arith.muli %add3A_237, %mul3A_238 : i32
      %add3A_240 = arith.constant 6656 : i32
      %add3A_241 = arith.addi %add3A_240, %mul3A_239 : i32
      %get3A_242 = arith.index_cast %add3A_241 : i32 to index
      %get3A_243 = tpu.vector_load %arg7[%get3A_242] {strides = array<i32>} : memref<13312xi32, #tpu.memory_space<vmem>>, vector<16xi32>,
      %gather3A_244 = tpu.vector_load_idx %arg8[%get3A_243] : memref<100032xf32, #tpu.memory_space<vmem>>[vector<16xi32>], vector<16xf32>,
      %add3A_245 = arith.addf %scan3A_150, %gather3A_244 : vector<16xf32>
      scf.yield %add3A_161, %add3A_173, %add3A_185, %add3A_197, %add3A_209, %add3A_221, %add3A_233, %add3A_245 : vector<16xf32>, vector<16xf32>, vector<16xf32>, vector<16xf32>, vector<16xf32>, vector<16xf32>, vector<16xf32>, vector<16xf32>
    }
    %scan3A_97 = arith.constant 26 : i32
    %add3A_98 = arith.addf %scan3A_96#0, %scan3A_96#1 : vector<16xf32>
    %add3A_99 = arith.addf %scan3A_96#2, %scan3A_96#3 : vector<16xf32>
    %add3A_100 = arith.addf %scan3A_96#4, %scan3A_96#5 : vector<16xf32>
    %add3A_101 = arith.addf %scan3A_96#6, %scan3A_96#7 : vector<16xf32>
    %add3A_102 = arith.addf %add3A_98, %add3A_99 : vector<16xf32>
    %add3A_103 = arith.addf %add3A_100, %add3A_101 : vector<16xf32>
    %add3A_104 = arith.addf %add3A_102, %add3A_103 : vector<16xf32>
    %add3A_105 = arith.addf %add3A_104, %get3A_12 : vector<16xf32>
    %swap3A_106 = arith.constant 32 : index
    %swap3A_107 = tpu.vector_load %arg9[%swap3A_106] {strides = array<i32>} : memref<64xf32, #tpu.memory_space<vmem>>, vector<16xf32>,
    tpu.vector_store %arg9[%swap3A_106], %add3A_105 {strides = array<i32>} : memref<64xf32, #tpu.memory_space<vmem>>, vector<16xf32>,
    %broadcast_in_dim3A_108 = arith.constant 0.000000e+00 : f32
    %broadcast_in_dim3A_109 = vector.broadcast %broadcast_in_dim3A_108 : f32 to vector<16xf32>
    %broadcast_in_dim3A_110 = arith.constant 0.000000e+00 : f32
    %broadcast_in_dim3A_111 = vector.broadcast %broadcast_in_dim3A_110 : f32 to vector<16xf32>
    %broadcast_in_dim3A_112 = arith.constant 0.000000e+00 : f32
    %broadcast_in_dim3A_113 = vector.broadcast %broadcast_in_dim3A_112 : f32 to vector<16xf32>
    %broadcast_in_dim3A_114 = arith.constant 0.000000e+00 : f32
    %broadcast_in_dim3A_115 = vector.broadcast %broadcast_in_dim3A_114 : f32 to vector<16xf32>
    %broadcast_in_dim3A_116 = arith.constant 0.000000e+00 : f32
    %broadcast_in_dim3A_117 = vector.broadcast %broadcast_in_dim3A_116 : f32 to vector<16xf32>
    %broadcast_in_dim3A_118 = arith.constant 0.000000e+00 : f32
    %broadcast_in_dim3A_119 = vector.broadcast %broadcast_in_dim3A_118 : f32 to vector<16xf32>
    %broadcast_in_dim3A_120 = arith.constant 0.000000e+00 : f32
    %broadcast_in_dim3A_121 = vector.broadcast %broadcast_in_dim3A_120 : f32 to vector<16xf32>
    %broadcast_in_dim3A_122 = arith.constant 0.000000e+00 : f32
    %broadcast_in_dim3A_123 = vector.broadcast %broadcast_in_dim3A_122 : f32 to vector<16xf32>
    %scan3A_124 = arith.constant 0 : i32
    %scan3A_125 = arith.constant 26 : i32
    %scan3A_126 = arith.addi %scan3A_124, %scan3A_125 : i32
    %scan3A_127 = arith.constant 1 : i32
    %scan3A_128:8 = scf.for %scan3A_142 = %scan3A_124 to %scan3A_126 step %scan3A_127 iter_args(%scan3A_143 = %broadcast_in_dim3A_109, %scan3A_144 = %broadcast_in_dim3A_111, %scan3A_145 = %broadcast_in_dim3A_113, %scan3A_146 = %broadcast_in_dim3A_115, %scan3A_147 = %broadcast_in_dim3A_117, %scan3A_148 = %broadcast_in_dim3A_119, %scan3A_149 = %broadcast_in_dim3A_121, %scan3A_150 = %broadcast_in_dim3A_123) -> (vector<16xf32>, vector<16xf32>, vector<16xf32>, vector<16xf32>, vector<16xf32>, vector<16xf32>, vector<16xf32>, vector<16xf32>)  : i32 {
      %mul3A_151 = arith.constant 8 : i32
      %mul3A_152 = arith.muli %scan3A_142, %mul3A_151 : i32
      %add3A_153 = arith.constant 0 : i32
      %add3A_154 = arith.addi %mul3A_152, %add3A_153 : i32
      %mul3A_155 = arith.constant 16 : i32
      %mul3A_156 = arith.muli %add3A_154, %mul3A_155 : i32
      %add3A_157 = arith.constant 9984 : i32
      %add3A_158 = arith.addi %add3A_157, %mul3A_156 : i32
      %get3A_159 = arith.index_cast %add3A_158 : i32 to index
      %get3A_160 = tpu.vector_load %arg7[%get3A_159] {strides = array<i32>} : memref<13312xi32, #tpu.memory_space<vmem>>, vector<16xi32>,
      %gather3A = tpu.vector_load_idx %arg8[%get3A_160] : memref<100032xf32, #tpu.memory_space<vmem>>[vector<16xi32>], vector<16xf32>,
      %add3A_161 = arith.addf %scan3A_143, %gather3A : vector<16xf32>
      %mul3A_162 = arith.constant 8 : i32
      %mul3A_163 = arith.muli %scan3A_142, %mul3A_162 : i32
      %add3A_164 = arith.constant 1 : i32
      %add3A_165 = arith.addi %mul3A_163, %add3A_164 : i32
      %mul3A_166 = arith.constant 16 : i32
      %mul3A_167 = arith.muli %add3A_165, %mul3A_166 : i32
      %add3A_168 = arith.constant 9984 : i32
      %add3A_169 = arith.addi %add3A_168, %mul3A_167 : i32
      %get3A_170 = arith.index_cast %add3A_169 : i32 to index
      %get3A_171 = tpu.vector_load %arg7[%get3A_170] {strides = array<i32>} : memref<13312xi32, #tpu.memory_space<vmem>>, vector<16xi32>,
      %gather3A_172 = tpu.vector_load_idx %arg8[%get3A_171] : memref<100032xf32, #tpu.memory_space<vmem>>[vector<16xi32>], vector<16xf32>,
      %add3A_173 = arith.addf %scan3A_144, %gather3A_172 : vector<16xf32>
      %mul3A_174 = arith.constant 8 : i32
      %mul3A_175 = arith.muli %scan3A_142, %mul3A_174 : i32
      %add3A_176 = arith.constant 2 : i32
      %add3A_177 = arith.addi %mul3A_175, %add3A_176 : i32
      %mul3A_178 = arith.constant 16 : i32
      %mul3A_179 = arith.muli %add3A_177, %mul3A_178 : i32
      %add3A_180 = arith.constant 9984 : i32
      %add3A_181 = arith.addi %add3A_180, %mul3A_179 : i32
      %get3A_182 = arith.index_cast %add3A_181 : i32 to index
      %get3A_183 = tpu.vector_load %arg7[%get3A_182] {strides = array<i32>} : memref<13312xi32, #tpu.memory_space<vmem>>, vector<16xi32>,
      %gather3A_184 = tpu.vector_load_idx %arg8[%get3A_183] : memref<100032xf32, #tpu.memory_space<vmem>>[vector<16xi32>], vector<16xf32>,
      %add3A_185 = arith.addf %scan3A_145, %gather3A_184 : vector<16xf32>
      %mul3A_186 = arith.constant 8 : i32
      %mul3A_187 = arith.muli %scan3A_142, %mul3A_186 : i32
      %add3A_188 = arith.constant 3 : i32
      %add3A_189 = arith.addi %mul3A_187, %add3A_188 : i32
      %mul3A_190 = arith.constant 16 : i32
      %mul3A_191 = arith.muli %add3A_189, %mul3A_190 : i32
      %add3A_192 = arith.constant 9984 : i32
      %add3A_193 = arith.addi %add3A_192, %mul3A_191 : i32
      %get3A_194 = arith.index_cast %add3A_193 : i32 to index
      %get3A_195 = tpu.vector_load %arg7[%get3A_194] {strides = array<i32>} : memref<13312xi32, #tpu.memory_space<vmem>>, vector<16xi32>,
      %gather3A_196 = tpu.vector_load_idx %arg8[%get3A_195] : memref<100032xf32, #tpu.memory_space<vmem>>[vector<16xi32>], vector<16xf32>,
      %add3A_197 = arith.addf %scan3A_146, %gather3A_196 : vector<16xf32>
      %mul3A_198 = arith.constant 8 : i32
      %mul3A_199 = arith.muli %scan3A_142, %mul3A_198 : i32
      %add3A_200 = arith.constant 4 : i32
      %add3A_201 = arith.addi %mul3A_199, %add3A_200 : i32
      %mul3A_202 = arith.constant 16 : i32
      %mul3A_203 = arith.muli %add3A_201, %mul3A_202 : i32
      %add3A_204 = arith.constant 9984 : i32
      %add3A_205 = arith.addi %add3A_204, %mul3A_203 : i32
      %get3A_206 = arith.index_cast %add3A_205 : i32 to index
      %get3A_207 = tpu.vector_load %arg7[%get3A_206] {strides = array<i32>} : memref<13312xi32, #tpu.memory_space<vmem>>, vector<16xi32>,
      %gather3A_208 = tpu.vector_load_idx %arg8[%get3A_207] : memref<100032xf32, #tpu.memory_space<vmem>>[vector<16xi32>], vector<16xf32>,
      %add3A_209 = arith.addf %scan3A_147, %gather3A_208 : vector<16xf32>
      %mul3A_210 = arith.constant 8 : i32
      %mul3A_211 = arith.muli %scan3A_142, %mul3A_210 : i32
      %add3A_212 = arith.constant 5 : i32
      %add3A_213 = arith.addi %mul3A_211, %add3A_212 : i32
      %mul3A_214 = arith.constant 16 : i32
      %mul3A_215 = arith.muli %add3A_213, %mul3A_214 : i32
      %add3A_216 = arith.constant 9984 : i32
      %add3A_217 = arith.addi %add3A_216, %mul3A_215 : i32
      %get3A_218 = arith.index_cast %add3A_217 : i32 to index
      %get3A_219 = tpu.vector_load %arg7[%get3A_218] {strides = array<i32>} : memref<13312xi32, #tpu.memory_space<vmem>>, vector<16xi32>,
      %gather3A_220 = tpu.vector_load_idx %arg8[%get3A_219] : memref<100032xf32, #tpu.memory_space<vmem>>[vector<16xi32>], vector<16xf32>,
      %add3A_221 = arith.addf %scan3A_148, %gather3A_220 : vector<16xf32>
      %mul3A_222 = arith.constant 8 : i32
      %mul3A_223 = arith.muli %scan3A_142, %mul3A_222 : i32
      %add3A_224 = arith.constant 6 : i32
      %add3A_225 = arith.addi %mul3A_223, %add3A_224 : i32
      %mul3A_226 = arith.constant 16 : i32
      %mul3A_227 = arith.muli %add3A_225, %mul3A_226 : i32
      %add3A_228 = arith.constant 9984 : i32
      %add3A_229 = arith.addi %add3A_228, %mul3A_227 : i32
      %get3A_230 = arith.index_cast %add3A_229 : i32 to index
      %get3A_231 = tpu.vector_load %arg7[%get3A_230] {strides = array<i32>} : memref<13312xi32, #tpu.memory_space<vmem>>, vector<16xi32>,
      %gather3A_232 = tpu.vector_load_idx %arg8[%get3A_231] : memref<100032xf32, #tpu.memory_space<vmem>>[vector<16xi32>], vector<16xf32>,
      %add3A_233 = arith.addf %scan3A_149, %gather3A_232 : vector<16xf32>
      %mul3A_234 = arith.constant 8 : i32
      %mul3A_235 = arith.muli %scan3A_142, %mul3A_234 : i32
      %add3A_236 = arith.constant 7 : i32
      %add3A_237 = arith.addi %mul3A_235, %add3A_236 : i32
      %mul3A_238 = arith.constant 16 : i32
      %mul3A_239 = arith.muli %add3A_237, %mul3A_238 : i32
      %add3A_240 = arith.constant 9984 : i32
      %add3A_241 = arith.addi %add3A_240, %mul3A_239 : i32
      %get3A_242 = arith.index_cast %add3A_241 : i32 to index
      %get3A_243 = tpu.vector_load %arg7[%get3A_242] {strides = array<i32>} : memref<13312xi32, #tpu.memory_space<vmem>>, vector<16xi32>,
      %gather3A_244 = tpu.vector_load_idx %arg8[%get3A_243] : memref<100032xf32, #tpu.memory_space<vmem>>[vector<16xi32>], vector<16xf32>,
      %add3A_245 = arith.addf %scan3A_150, %gather3A_244 : vector<16xf32>
      scf.yield %add3A_161, %add3A_173, %add3A_185, %add3A_197, %add3A_209, %add3A_221, %add3A_233, %add3A_245 : vector<16xf32>, vector<16xf32>, vector<16xf32>, vector<16xf32>, vector<16xf32>, vector<16xf32>, vector<16xf32>, vector<16xf32>
    }
    %scan3A_129 = arith.constant 26 : i32
    %add3A_130 = arith.addf %scan3A_128#0, %scan3A_128#1 : vector<16xf32>
    %add3A_131 = arith.addf %scan3A_128#2, %scan3A_128#3 : vector<16xf32>
    %add3A_132 = arith.addf %scan3A_128#4, %scan3A_128#5 : vector<16xf32>
    %add3A_133 = arith.addf %scan3A_128#6, %scan3A_128#7 : vector<16xf32>
    %add3A_134 = arith.addf %add3A_130, %add3A_131 : vector<16xf32>
    %add3A_135 = arith.addf %add3A_132, %add3A_133 : vector<16xf32>
    %add3A_136 = arith.addf %add3A_134, %add3A_135 : vector<16xf32>
    %add3A_137 = arith.addf %add3A_136, %get3A_12 : vector<16xf32>
    %swap3A_138 = arith.constant 48 : index
    %swap3A_139 = tpu.vector_load %arg9[%swap3A_138] {strides = array<i32>} : memref<64xf32, #tpu.memory_space<vmem>>, vector<16xf32>,
    tpu.vector_store %arg9[%swap3A_138], %add3A_137 {strides = array<i32>} : memref<64xf32, #tpu.memory_space<vmem>>, vector<16xf32>,
    %mul3A_140 = arith.constant 64 : i32
    %mul3A_141 = arith.muli %add3A, %mul3A_140 : i32
    "tpu.region"() ({
      %run_scoped3A = tpu.sem_alloc : memref<!tpu.dma_semaphore, #tpu.memory_space<semaphore_mem>>
      %dma_start3A = tpu.memref_slice %arg5[%mul3A_141] : memref<1024xf32, #tpu.memory_space<hbm>> -> memref<64xf32, #tpu.memory_space<hbm>>
      %dma_start3A_142 = tpu.memref_slice %arg5[%mul3A_141] : memref<1024xf32, #tpu.memory_space<hbm>> -> memref<64xf32, #tpu.memory_space<hbm>>
      tpu.enqueue_dma source(%arg9 : memref<64xf32, #tpu.memory_space<vmem>>) target(%dma_start3A_142 : memref<64xf32, #tpu.memory_space<hbm>>) target_semaphore(%run_scoped3A : memref<!tpu.dma_semaphore, #tpu.memory_space<semaphore_mem>>)
      %dma_wait3A = tpu.memref_slice %arg5[%mul3A_141] : memref<1024xf32, #tpu.memory_space<hbm>> -> memref<64xf32, #tpu.memory_space<hbm>>
      %dma_wait3A_143 = tpu.memref_slice %arg5[%mul3A_141] : memref<1024xf32, #tpu.memory_space<hbm>> -> memref<64xf32, #tpu.memory_space<hbm>>
      tpu.wait_dma2 semaphore(%run_scoped3A : memref<!tpu.dma_semaphore, #tpu.memory_space<semaphore_mem>>) src(%arg9 : memref<64xf32, #tpu.memory_space<vmem>>) dst(%dma_wait3A_143 : memref<64xf32, #tpu.memory_space<hbm>>)
      tpu.yield
    }) : () -> ()
    return
  }
}

</mosaic_0001>

<sc_bundles>
// kernel: kernel.3.cloned.1.call-start
scs
__scs_entry_jumppad:
0x0: {  	(pc) =	sbr.rel $0x88, $3  }
0x1: {  	(tag) =	ssettag $0x0;
	lr =	simm.s32 $0x1  }
0x2: {  	[smem:$0x3F9E] =	sst lr;
	_ =	strace $0xD0000000  }
0x3: {  	_ = 	snop  }
0x4: {  	_ = 	snop  }
0x5: {  	_ = 	snop  }
0x6: {  	_ = 	snop  }
0x7: {  	_ = 	snop  }
__scs_overlays_trampoline_lowered:
0x8: {  	[smem:$0x3FAD] =	sst s0  }
0x9: {  	[smem:$0x3FAE] =	sst s1  }
0xa: {  	[smem:$0x3FAF] =	sst s2  }
0xb: {  	[smem:$0x3FB0] =	sst s3  }
0xc: {  	[smem:$0x3FB1] =	sst s4  }
0xd: {  	[smem:$0x3FB2] =	sst s5  }
0xe: {  	[smem:$0x3FB3] =	sst s6  }
0xf: {  	[smem:$0x3FB4] =	sst s7  }
0x10: {  	[smem:$0x3FB5] =	sst s8  }
0x11: {  	[smem:$0x3FB6] =	sst s9;
	s0 =	simm.s32 @!p0 $0x0  }
0x12: {  	s1 =	sld [smem:$0x3F9C];
	s0 =	simm.s32 @p0 $0x1  }
0x13: {  	[smem:$0x3FB7] =	sst s0;
	s0 =	simm.s32 @!p1 $0x0  }
0x14: {  	s2 =	sld [smem:$0x3F9B];
	s0 =	simm.s32 @p1 $0x1  }
0x15: {  	[smem:$0x3FB8] =	sst s0;
	s0 =	simm.s32 @!p2 $0x0  }
0x16: {  	s3 =	sld [smem:$0x3FDB];
	s0 =	simm.s32 @p2 $0x1  }
0x17: {  	s4 =	simm.s32 $0x1BF5;
	[smem:$0x3FBA] =	sst s0  }
0x18: {  	s0 =	sld [smem:$0x3F9D];
	_ =	swait.ge [sflag:s4], $0x0  }
0x19: {  	s7 =	sld [smem:$0x3F9E]  }
0x1a: {  	s8 =	sadd.s32 $0xFFFFE003, lr  }
0x1b: {  	s9 =	sadd.s32 $0xFFFFFEF7, lr;
	s5 =	simm.s32 $0xFFFFFFFF;
	p2 =	slt.u32 s8, $0xFFFFF086  }
0x1c: {  	p1 =	slt.u32 s9, $0xF7A;
	s5 =	simm.s32 @!p2 $0x0  }
0x1d: {  	s5 =	simm.s32 @p1 $0x1;
	p0 =	seq.s32 s7, s2  }
0x1e: {  	s7 =	smul.u32 @!p0 $0xF7A, s2;
	p2 =	seq.s32 @!p0 s5, $0x0  }
0x1f: {  	s9 =	smul.u32 $0xF7A, s1;
	s8 =	simm.s32 @!p0 $0x1BF5;
	p2 =	por !p2, p0  }
0x20: {  	[sflag:s8] =	ssyncset.s32 @!p0 $0xFFFFF086;
	s6 =	sadd.s32 @!p0 s3, s7;
	s7 =	simm.s32 @!p0 $0x108  }
0x21: {  	s3 =	sadd.s32 s3, s9;
	s6 =	sadd.s32 @!p0 $0x88, s6;
	s7 =	simm.s32 @p2 $0x1082  }
0x22: {  	[simem:s7], [sflag:s8] =	dma.local @!p0 [hbm:s6], $0xF7A  }
0x23: {  	s9 =	sor.u32 $0xD0000000, s2;
	s6 =	simm.s32 $0x108;
	_ =	swait.ge @!p0 [sflag:s8], $0x0  }
0x24: {  	s3 =	sadd.s32 $0x88, s3;
	s6 =	simm.s32 @!p1 $0x1082;
	[sflag:s4] =	ssyncset.s32 $0xFFFFF086  }
0x25: {  	[simem:s6], [sflag:s4] =	dma.local [hbm:s3], $0xF7A  }
0x26: {  	[smem:$0x3F9E] =	sst s1;
	(tag) =	ssettag s2;
	_ =	strace s9  }
0x27: {  	s1 =	sld [smem:$0x3FAE]  }
0x28: {  	s2 =	sld [smem:$0x3FAF]  }
0x29: {  	s4 =	sld [smem:$0x3FB1]  }
0x2a: {  	p0 =	seq.s32 s5, $0x0;
	s5 =	sld [smem:$0x3FB2]  }
0x2b: {  	s6 =	sld [smem:$0x3FB3]  }
0x2c: {  	s7 =	sld [smem:$0x3FB4]  }
0x2d: {  	s3 =	simm.s32 $0x108;
	s8 =	sld [smem:$0x3FB5]  }
0x2e: {  	s3 =	simm.s32 @!p0 $0x1082;
	s9 =	sld [smem:$0x3FB6]  }
0x2f: {  	lr =	sadd.s32 s0, s3;
	s0 =	sld [smem:$0x3FAD]  }
0x30: {  	s3 =	sld [smem:$0x3FB0]  }
0x31: {  	[smem:$0x3FB9] =	sst s10  }
0x32: {  	s10 =	sld [smem:$0x3FB7];
	_ =	sdelay $0x3  }
0x33: {  	p0 =	seq.s32 s10, $0x1;
	s10 =	sld [smem:$0x3FB9];
	_ =	sdelay $0x3  }
0x34: {  	[smem:$0x3FB9] =	sst s10  }
0x35: {  	s10 =	sld [smem:$0x3FB8];
	_ =	sdelay $0x3  }
0x36: {  	p1 =	seq.s32 s10, $0x1;
	s10 =	sld [smem:$0x3FB9];
	_ =	sdelay $0x3  }
0x37: {  	[smem:$0x3FB9] =	sst s10  }
0x38: {  	s10 =	sld [smem:$0x3FBA]  }
0x39: {  	_ = 	snop;
	(pc) =	sbr.ind lr, $3  }
0x3a: {  	_ = 	snop  }
0x3b: {  	_ = 	snop  }
0x3c: {  	p2 =	seq.s32 s10, $0x1;
	s10 =	sld [smem:$0x3FB9]  }
0x3d: {  	_ =	shalt  }
0x3e: {  	_ =	shalt  }
0x3f: {  	_ =	shalt  }
0x40: {  	_ =	shalt  }
0x41: {  	_ =	shalt  }
0x42: {  	_ =	shalt  }
0x43: {  	_ =	shalt  }
0x44: {  	_ =	shalt  }
0x45: {  	_ =	shalt  }
0x46: {  	_ =	shalt  }
0x47: {  	_ =	shalt  }
0x48: {  	_ =	shalt  }
0x49: {  	_ =	shalt  }
0x4a: {  	_ =	shalt  }
0x4b: {  	_ =	shalt  }
0x4c: {  	_ =	shalt  }
0x4d: {  	_ =	shalt  }
0x4e: {  	_ =	shalt  }
0x4f: {  	_ =	shalt  }
0x50: {  	_ =	shalt  }
0x51: {  	_ =	shalt  }
0x52: {  	_ =	shalt  }
0x53: {  	_ =	shalt  }
0x54: {  	_ =	shalt  }
0x55: {  	_ =	shalt  }
0x56: {  	_ =	shalt  }
0x57: {  	_ =	shalt  }
0x58: {  	_ =	shalt  }
0x59: {  	_ =	shalt  }
0x5a: {  	_ =	shalt  }
0x5b: {  	_ =	shalt  }
0x5c: {  	_ =	shalt  }
0x5d: {  	_ =	shalt  }
0x5e: {  	_ =	shalt  }
0x5f: {  	_ =	shalt  }
0x60: {  	_ =	shalt  }
0x61: {  	_ =	shalt  }
0x62: {  	_ =	shalt  }
0x63: {  	_ =	shalt  }
0x64: {  	_ =	shalt  }
0x65: {  	_ =	shalt  }
0x66: {  	_ =	shalt  }
0x67: {  	_ =	shalt  }
0x68: {  	_ =	shalt  }
0x69: {  	_ =	shalt  }
0x6a: {  	_ =	shalt  }
0x6b: {  	_ =	shalt  }
0x6c: {  	_ =	shalt  }
0x6d: {  	_ =	shalt  }
0x6e: {  	_ =	shalt  }
0x6f: {  	_ =	shalt  }
0x70: {  	_ =	shalt  }
0x71: {  	_ =	shalt  }
0x72: {  	_ =	shalt  }
0x73: {  	_ =	shalt  }
0x74: {  	_ =	shalt  }
0x75: {  	_ =	shalt  }
0x76: {  	_ =	shalt  }
0x77: {  	_ =	shalt  }
0x78: {  	_ =	shalt  }
0x79: {  	_ =	shalt  }
0x7a: {  	_ =	shalt  }
0x7b: {  	_ =	shalt  }
0x7c: {  	_ =	shalt  }
0x7d: {  	_ =	shalt  }
0x7e: {  	_ =	shalt  }
0x7f: {  	_ =	shalt  }
0x80: {  	_ =	shalt  }
0x81: {  	_ =	shalt  }
0x82: {  	_ =	shalt  }
0x83: {  	_ =	shalt  }
0x84: {  	_ =	shalt  }
0x85: {  	_ =	shalt  }
0x86: {  	_ =	shalt  }
0x87: {  	_ =	shalt  }
.Lfunc_end0:
.L_simem_size_0:
called_computation_lowered:
.L_overlay_start_0:
0x88: {  	s0 =	sld [smem:$0x3FD9]  }
0x89: {  	s1 =	sld [smem:$0x3FFE];
	_ =	sdelay $0x3  }
0x8a: {  	s0 =	sadd.s32 s1, s0  }
0x8b: {  	[smem:$0x3FC5] =	sst s0  }
0x8c: {  	_ = 	snop  }
0x8d: {  	s0 =	sld [smem:$0x3FD0];
	(tm) =	ssettm $0x1  }
0x8e: {  	s16 =	sld [smem:$0x3FFB];
	_ =	sdelay $0x3  }
0x8f: {  	_ =	strace s16  }
0x90: {  	s1 =	sld [smem:$0x3FFC];
	_ =	sdelay $0x3  }
0x91: {  	_ =	strace s1  }
0x92: {  	s1 =	sld [smem:$0x3FFD];
	_ =	sdelay $0x3  }
0x93: {  	_ =	strace s1  }
0x94: {  	_ =	strace $0x8FFFFFFF  }
0x95: {  	s17 =	sld [smem:$0x3FDB];
	_ =	sdelay $0x1  }
0x96: {  	s2 =	simm.s32 $_scs_section_size  }
0x97: {  	s3 =	simm.s32 $_size__tile_overlayer_lowered;
	s4 =	simm.s32 $_tile_overlayer_lowered  }
0x98: {  	s20 =	simm.s32 $0x1BFF;
	s19 =	sshll.u32 s4, $0x1;
	s1 =	sadd.s32 s2, s17  }
0x99: {  	s5 =	simm.s32 $0x0;
	s18 =	sshll.u32 s3, $0x1;
	s3 =	sadd.s32 s19, s1  }
0x9a: {  	[timem:s5], [sflag:s20] =	dma.local [hbm:s3], s18  }
0x9b: {  	_ =	swait.ge [sflag:s20], s18  }
0x9c: {  	s2 =	ssub.s32 $0x0, s18;
	[sflag:s20] =	ssyncset.done $0x0  }
0x9d: {  	[sflag:s20] =	ssyncadd.s32 s2;
	_ =	sdelay $0x1  }
0x9e: {  	s21 =	simm.s32 $0x1B8B  }
0x9f: {  	_ =	swait.ge [sflag:s21], $0x1  }
0xa0: {  	[sflag:s21] =	ssyncset.done $0x0  }
0xa1: {  	s23 =	simm.s32 $0x1B8E;
	s22 =	sld [smem:$0x3FFE];
	[sflag:s21] =	ssyncadd.s32 $0xFFFFFFFF  }
0xa2: {  	s24 =	simm.s32 $execute0_lowered;
	[smem:$0x3FD2] =	sst s23  }
0xa3: {  	s3 =	sshll.u32 s24, $0x1;
	_ =	strace $0x80000046;
	[dreg:$0x1] =	wrdreg $0xFFFFFFFF  }
0xa4: {  	s25 =	simm.s32 $_size_execute0_lowered;
	s1 =	sadd.s32 s1, s3;
	[dreg:$0x0] =	wrdreg $0x0  }
0xa5: {  	s3 =	sshll.u32 s25, $0x1;
	[dreg:$0x2] =	wrdreg s1  }
0xa6: {  	[dreg:$0x3] =	wrdreg s3  }
0xa7: {  	[dreg:$0x4] =	wrdreg $0xC0  }
0xa8: {  	_ =	task [dreg:s5], $0x5FFFF  }
0xa9: {  	[dreg:$0x1] =	wrdreg $0xFFFFFFFF  }
0xaa: {  	[dreg:$0x0] =	wrdreg $0x60  }
0xab: {  	[dreg:$0x2] =	wrdreg s22  }
0xac: {  	[dreg:$0x3] =	wrdreg s0  }
0xad: {  	[dreg:$0x4] =	wrdreg $0x9  }
0xae: {  	_ =	task.clear_ibuf [dreg:s5], $0x5FFFF;
	_ =	strace $0x90000046  }
0xaf: {  	s26 =	simm.s32 $0x9;
	_ =	strace $0x80000048  }
0xb0: {  	_ =	swait.ge [sflag:s26], $0x1  }
0xb1: {  	[sflag:s26] =	ssyncadd.s32 $0xFFFFFFFF  }
0xb2: {  	_ =	strace $0x90000048  }
0xb3: {  	_ =	sfence  }
0xb4: {  	s28 =	sld [smem:$0x0];
	_ =	sdelay $0x1  }
0xb5: {  	s29 =	srdreg.scid  }
0xb6: {  	s30 =	sshll.u32 s29, $0xD;
	s31 =	sshrl.u32 s29, $0x2  }
0xb7: {  	s2 =	sand.u32 $0x4000, s30;
	s1 =	sand.u32 $0x1, s29;
	s0 =	sadd.s32 s31, s28  }
0xb8: {  	s1 =	sor.u32 s2, s1;
	s0 =	sshll.u32 s0, $0x11  }
0xb9: {  	s0 =	sor.u32 s0, s1  }
0xba: {  	s0 =	sadd.s32 $0x8F2B, s0  }
0xbb: {  	[sflag:s0] =	ssyncadd.remote.s32 $0x1  }
0xbc: {  	_ =	sfence.sel $0xFFFF  }
0xbd: {  	[dreg:$0x0] =	wrdreg $0xFFFFFFFF;
	(pc) =	sbr.abs _section_cstart, $3  }
0xbe: {  	[dreg:$0x1] =	wrdreg $0xFFFFFFFF  }
0xbf: {  	_ =	task.clear_ibuf [dreg:s5], $0x2FFFF;
	_ =	strace $0x9FFFFFFF  }
0xc0: {  	(tm) =	ssettm $0x7FFFFFFF  }
0xc1: {  	_ =	shalt  }
tec
execute0_lowered:
.L_overlay_start_1:
0x0: {  	(tag) =	ssettag $0x1  }
0x1: {  	v0 =	vimm.f32 $1.500000000e+01  }
0x2: {  	vm14 =	vcmask $0x300;
	vm13 =	vcmask $0x704;
	vm12 =	vcmask $0xB08  }
0x3: {  	vm11 =	vcmask $0xF0C;
	vm10 =	vcmask $0x1310;
	vm9 =	vcmask $0x1714  }
0x4: {  	vm8 =	vcmask $0x1B18;
	vm7 =	vcmask $0x1F1C;
	vm6 =	vcmask $0x2320  }
0x5: {  	vm5 =	vcmask $0x2724;
	vm4 =	vcmask $0x2B28;
	vm3 =	vcmask $0x2F2C  }
0x6: {  	vm2 =	vcmask $0x3330;
	vm0 =	vcmask $0x3734;
	vm1 =	vcmask $0x3B38  }
0x7: {  	v1 =	vimm.f32 $3.100000000e+01;
	v2 =	vimm.f32 $4.700000000e+01;
	v3 =	vimm.f32 $6.300000000e+01  }
0x8: {  	v4 =	vimm.f32 $7.900000000e+01;
	v5 =	vimm.f32 $9.500000000e+01;
	v6 =	vimm.f32 $1.110000000e+02  }
0x9: {  	v8 =	vimm.f32 $1.430000000e+02;
	v9 =	vimm.f32 $1.590000000e+02;
	v15 =	vimm.f32 $1.910000000e+02  }
0xa: {  	v16 =	vimm.f32 $2.070000000e+02;
	v0 =	vsel vm14, $0x0, v0;
	v1 =	vsel vm14, $0x41800000, v1  }
0xb: {  	v2 =	vsel vm14, $0x42000000, v2;
	v3 =	vsel vm14, $0x42400000, v3;
	v4 =	vsel vm14, $0x42800000, v4  }
0xc: {  	v5 =	vsel vm14, $0x42A00000, v5;
	v6 =	vsel vm14, $0x42C00000, v6;
	v8 =	vsel vm14, $0x43000000, v8  }
0xd: {  	v9 =	vsel vm14, $0x43100000, v9;
	v15 =	vsel vm14, $0x43300000, v15;
	v16 =	vsel vm14, $0x43400000, v16  }
0xe: {  	v0 =	vsel vm13, $0x3F800000, v0;
	v1 =	vsel vm13, $0x41880000, v1;
	v2 =	vsel vm13, $0x42040000, v2  }
0xf: {  	v3 =	vsel vm13, $0x42440000, v3;
	v4 =	vsel vm13, $0x42820000, v4;
	v5 =	vsel vm13, $0x42A20000, v5  }
0x10: {  	v6 =	vsel vm13, $0x42C20000, v6;
	v8 =	vsel vm13, $0x43010000, v8;
	v9 =	vsel vm13, $0x43110000, v9  }
0x11: {  	v17 =	vsel vm13, $0x43310000, v15;
	v18 =	vsel vm13, $0x43410000, v16;
	v0 =	vsel vm12, $0x40000000, v0  }
0x12: {  	v1 =	vsel vm12, $0x41900000, v1;
	v2 =	vsel vm12, $0x42080000, v2;
	v3 =	vsel vm12, $0x42480000, v3  }
0x13: {  	v4 =	vsel vm12, $0x42840000, v4;
	v5 =	vsel vm12, $0x42A40000, v5;
	v6 =	vsel vm12, $0x42C40000, v6  }
0x14: {  	v8 =	vsel vm12, $0x43020000, v8;
	v9 =	vsel vm12, $0x43120000, v9;
	v17 =	vsel vm12, $0x43320000, v17  }
0x15: {  	v18 =	vsel vm12, $0x43420000, v18;
	v0 =	vsel vm11, $0x40400000, v0;
	v1 =	vsel vm11, $0x41980000, v1  }
0x16: {  	v2 =	vsel vm11, $0x420C0000, v2;
	v3 =	vsel vm11, $0x424C0000, v3;
	v4 =	vsel vm11, $0x42860000, v4  }
0x17: {  	v5 =	vsel vm11, $0x42A60000, v5;
	v6 =	vsel vm11, $0x42C60000, v6;
	v8 =	vsel vm11, $0x43030000, v8  }
0x18: {  	v9 =	vsel vm11, $0x43130000, v9;
	v17 =	vsel vm11, $0x43330000, v17;
	v18 =	vsel vm11, $0x43430000, v18  }
0x19: {  	v0 =	vsel vm10, $0x40800000, v0;
	v1 =	vsel vm10, $0x41A00000, v1;
	v2 =	vsel vm10, $0x42100000, v2  }
0x1a: {  	v3 =	vsel vm10, $0x42500000, v3;
	v4 =	vsel vm10, $0x42880000, v4;
	v5 =	vsel vm10, $0x42A80000, v5  }
0x1b: {  	v6 =	vsel vm10, $0x42C80000, v6;
	v8 =	vsel vm10, $0x43040000, v8;
	v9 =	vsel vm10, $0x43140000, v9  }
0x1c: {  	v17 =	vsel vm10, $0x43340000, v17;
	v18 =	vsel vm10, $0x43440000, v18;
	v0 =	vsel vm9, $0x40A00000, v0  }
0x1d: {  	v1 =	vsel vm9, $0x41A80000, v1;
	v2 =	vsel vm9, $0x42140000, v2;
	v3 =	vsel vm9, $0x42540000, v3  }
0x1e: {  	v4 =	vsel vm9, $0x428A0000, v4;
	v5 =	vsel vm9, $0x42AA0000, v5;
	v6 =	vsel vm9, $0x42CA0000, v6  }
0x1f: {  	v8 =	vsel vm9, $0x43050000, v8;
	v9 =	vsel vm9, $0x43150000, v9;
	v17 =	vsel vm9, $0x43350000, v17  }
0x20: {  	v18 =	vsel vm9, $0x43450000, v18;
	v0 =	vsel vm8, $0x40C00000, v0;
	v1 =	vsel vm8, $0x41B00000, v1  }
0x21: {  	v2 =	vsel vm8, $0x42180000, v2;
	v3 =	vsel vm8, $0x42580000, v3;
	v4 =	vsel vm8, $0x428C0000, v4  }
0x22: {  	v5 =	vsel vm8, $0x42AC0000, v5;
	v6 =	vsel vm8, $0x42CC0000, v6;
	v8 =	vsel vm8, $0x43060000, v8  }
0x23: {  	v10 =	vsel vm8, $0x43160000, v9;
	v17 =	vsel vm8, $0x43360000, v17;
	v18 =	vsel vm8, $0x43460000, v18  }
0x24: {  	v0 =	vsel vm7, $0x40E00000, v0;
	v1 =	vsel vm7, $0x41B80000, v1;
	v2 =	vsel vm7, $0x421C0000, v2  }
0x25: {  	v3 =	vsel vm7, $0x425C0000, v3;
	v4 =	vsel vm7, $0x428E0000, v4;
	v5 =	vsel vm7, $0x42AE0000, v5  }
0x26: {  	v6 =	vsel vm7, $0x42CE0000, v6;
	v8 =	vsel vm7, $0x43070000, v8;
	v4 =	vsel vm6, $0x42900000, v4  }
0x27: {  	v10 =	vsel vm7, $0x43170000, v10;
	v5 =	vsel vm6, $0x42B00000, v5;
	v4 =	vsel vm5, $0x42920000, v4  }
0x28: {  	s6 =	rddreg [dreg:$0x0];
	s0 =	stileid.u32;
	v17 =	vsel vm7, $0x43370000, v17;
	v5 =	vsel vm5, $0x42B20000, v5;
	v4 =	vsel vm4, $0x42940000, v4  }
0x29: {  	s2 =	rddreg [dreg:$0x1];
	s4 =	smul.u32 $0x680, s0;
	v18 =	vsel vm7, $0x43470000, v18;
	v5 =	vsel vm4, $0x42B40000, v5;
	v4 =	vsel vm3, $0x42960000, v4  }
0x2a: {  	s1 =	rddreg [dreg:$0x2];
	s3 =	simm.s32 $0x0;
	v0 =	vsel vm6, $0x41000000, v0;
	v5 =	vsel vm3, $0x42B60000, v5;
	v4 =	vsel vm2, $0x42980000, v4  }
0x2b: {  	[smem:$0x7FF] =	sst s3;
	s4 =	sadd.s32 s4, s6;
	v1 =	vsel vm6, $0x41C00000, v1;
	v7 =	vsel vm2, $0x42B80000, v5;
	v4 =	vsel vm0, $0x429A0000, v4  }
0x2c: {  	s24 =	simm.s32 $0x1;
	_ =	strace $0x80000047;
	s4 =	sadd.s32 $0x200, s4;
	v5 =	vsel vm1, $0x429C0000, v4;
	v4 =	vsel vm0, $0x42BA0000, v7;
	v7 =	vimm.f32 $1.270000000e+02  }
0x2d: {  	[tilespmem:s3], [sflag:$0x1] =	stream.linear.gather [hbm4b:s4+s3], $0x3400, $0x38;
	v2 =	vsel vm6, $0x42200000, v2;
	v3 =	vsel vm6, $0x42600000, v3;
	v7 =	vsel vm14, $0x42E00000, v7;
	[tilespmem:$0x1F000] =	vst v63  }
0x2e: {  	_ =	swait.ge [sflag:s24], $0x3400;
	v6 =	vsel vm6, $0x42D00000, v6;
	v8 =	vsel vm6, $0x43080000, v8;
	v7 =	vsel vm13, $0x42E20000, v7  }
0x2f: {  	[sflag:s24] =	ssyncset.done $0x0;
	v10 =	vsel vm6, $0x43180000, v10;
	v17 =	vsel vm6, $0x43380000, v17;
	v7 =	vsel vm12, $0x42E40000, v7  }
0x30: {  	s7 =	simm.s32 $0x1EF80;
	s5 =	sadd.s32 $0x9C00, s6;
	[sflag:s24] =	ssyncadd.s32 $0xFFFFCC00;
	v18 =	vsel vm6, $0x43480000, v18;
	v0 =	vsel vm5, $0x41100000, v0;
	v7 =	vsel vm11, $0x42E60000, v7  }
0x31: {  	[tilespmem:s7], [sflag:$0x1] =	stream.linear.gather [hbm4b:s5+s3], $0x80, $0x38;
	v1 =	vsel vm5, $0x41C80000, v1;
	v2 =	vsel vm5, $0x42240000, v2;
	v7 =	vsel vm10, $0x42E80000, v7;
	[tilespmem:$0x1F000] =	vst v63  }
0x32: {  	v3 =	vsel vm5, $0x42640000, v3;
	v6 =	vsel vm5, $0x42D20000, v6;
	_ =	swait.ge [sflag:s24], $0x80;
	v7 =	vsel vm9, $0x42EA0000, v7  }
0x33: {  	v8 =	vsel vm5, $0x43090000, v8;
	v10 =	vsel vm5, $0x43190000, v10;
	[sflag:s24] =	ssyncset.done $0x0;
	v7 =	vsel vm8, $0x42EC0000, v7  }
0x34: {  	s4 =	simm.s32 $0x60;
	v17 =	vsel vm5, $0x43390000, v17;
	v18 =	vsel vm5, $0x43490000, v18;
	[sflag:s24] =	ssyncadd.s32 $0xFFFFFF80;
	v7 =	vsel vm7, $0x42EE0000, v7  }
0x35: {  	v0 =	vsel vm4, $0x41200000, v0;
	v1 =	vsel vm4, $0x41D00000, v1;
	v9 =	vld [tilespmem:s4+$0x0];
	v7 =	vsel vm6, $0x42F00000, v7  }
0x36: {  	v2 =	vsel vm4, $0x42280000, v2;
	v3 =	vsel vm4, $0x42680000, v3;
	v11 =	vld [tilespmem:s4+$0xFFFFFFF0];
	v7 =	vsel vm5, $0x42F20000, v7  }
0x37: {  	v6 =	vsel vm4, $0x42D40000, v6;
	v8 =	vsel vm4, $0x430A0000, v8;
	v21 =	vld [tilespmem:s4+$0xFFFFFFD0];
	v7 =	vsel vm4, $0x42F40000, v7  }
0x38: {  	v10 =	vsel vm4, $0x431A0000, v10;
	v17 =	vsel vm4, $0x433A0000, v17;
	v31 =	vld [tilespmem:s4+$0xFFFFFFC0];
	v7 =	vsel vm3, $0x42F60000, v7  }
0x39: {  	v18 =	vsel vm4, $0x434A0000, v18;
	v8 =	vsel vm3, $0x430B0000, v8;
	v34 =	vld [tilespmem:s4+$0xFFFFFFA0];
	v7 =	vsel vm2, $0x42F80000, v7  }
0x3a: {  	v0 =	vsel vm3, $0x41300000, v0;
	v26 =	vld [tilespmem:s4+$0xFFFFFFB0];
	v12 =	vsel vm2, $0x430C0000, v8;
	v7 =	vsel vm0, $0x42FA0000, v7  }
0x3b: {  	v13 =	vld [tilespmem:s4+$0x10];
	v8 =	vsel vm1, $0x42FC0000, v7;
	v7 =	vsel vm0, $0x430D0000, v12;
	v12 =	vimm.f32 $1.750000000e+02  }
0x3c: {  	v1 =	vsel vm3, $0x41D80000, v1;
	v2 =	vsel vm3, $0x422C0000, v2;
	v39 =	vld [tilespmem:s4+$0xFFFFFFE0];
	v14 =	vsel vm14, $0x43200000, v12  }
0x3d: {  	s25 =	sand.u32 $0x3FF0, s3;
	v3 =	vsel vm3, $0x426C0000, v3;
	v0 =	vsel vm2, $0x41400000, v0;
	v23 =	vld [tilespmem:s4+$0x30];
	v14 =	vsel vm13, $0x43210000, v14  }
0x3e: {  	v1 =	vsel vm2, $0x41E00000, v1;
	v2 =	vsel vm2, $0x42300000, v2;
	v15 =	vld [tilespmem:s25+$0x80];
	v14 =	vsel vm12, $0x43220000, v14  }
0x3f: {  	v3 =	vsel vm2, $0x42700000, v3;
	v16 =	vld [tilespmem:s4+$0x50];
	v0 =	vsel vm0, $0x41500000, v0;
	v14 =	vsel vm11, $0x43230000, v14  }
0x40: {  	s5 =	simm.s32 $0x6800;
	v1 =	vsel vm0, $0x41E80000, v1;
	v0 =	vsel vm1, $0x41600000, v0;
	v12 =	vld [tilespmem:s4+$0x40];
	v19 =	vsel vm10, $0x43240000, v14  }
0x41: {  	v2 =	vsel vm0, $0x42340000, v2;
	v1 =	vsel vm1, $0x41F00000, v1;
	v14 =	vld [tilespmem:s4+$0x60];
	[tilespmem:v34+s5+$0x0] =	vst.idx.msk $0xffff, v0;
	v19 =	vsel vm9, $0x43250000, v19  }
0x42: {  	v3 =	vsel vm0, $0x42740000, v3;
	v2 =	vsel vm1, $0x42380000, v2;
	[tilespmem:v26+s5+$0x0] =	vst.idx.msk $0xffff, v1;
	v19 =	vsel vm8, $0x43260000, v19  }
0x43: {  	v6 =	vsel vm3, $0x42D60000, v6;
	v3 =	vsel vm1, $0x42780000, v3;
	[tilespmem:v31+s5+$0x0] =	vst.idx.msk $0xffff, v2;
	v19 =	vsel vm7, $0x43270000, v19  }
0x44: {  	v10 =	vsel vm3, $0x431B0000, v10;
	v6 =	vsel vm2, $0x42D80000, v6;
	[tilespmem:v21+s5+$0x0] =	vst.idx.msk $0xffff, v3;
	v19 =	vsel vm6, $0x43280000, v19  }
0x45: {  	v6 =	vsel vm0, $0x42DA0000, v6;
	v4 =	vsel vm1, $0x42BC0000, v4;
	[tilespmem:v39+s5+$0x0] =	vst.idx.msk $0xffff, v5;
	v19 =	vsel vm5, $0x43290000, v19  }
0x46: {  	v17 =	vsel vm3, $0x433B0000, v17;
	v6 =	vsel vm1, $0x42DC0000, v6;
	[tilespmem:v11+s5+$0x0] =	vst.idx.msk $0xffff, v4;
	v19 =	vsel vm4, $0x432A0000, v19  }
0x47: {  	v18 =	vsel vm3, $0x434B0000, v18;
	v10 =	vsel vm2, $0x431C0000, v10;
	[tilespmem:v9+s5+$0x0] =	vst.idx.msk $0xffff, v6;
	v19 =	vsel vm3, $0x432B0000, v19  }
0x48: {  	v10 =	vsel vm0, $0x431D0000, v10;
	v7 =	vsel vm1, $0x430E0000, v7;
	[tilespmem:v13+s5+$0x0] =	vst.idx.msk $0xffff, v8;
	v19 =	vsel vm2, $0x432C0000, v19  }
0x49: {  	v20 =	vsel vm2, $0x433C0000, v17;
	v10 =	vsel vm1, $0x431E0000, v10;
	[tilespmem:v15+s5+$0x0] =	vst.idx.msk $0xffff, v7;
	v19 =	vsel vm0, $0x432D0000, v19  }
0x4a: {  	v18 =	vsel vm2, $0x434C0000, v18;
	[tilespmem:v23+s5+$0x0] =	vst.idx.msk $0xffff, v10;
	v17 =	vsel vm1, $0x432E0000, v19;
	v19 =	vsel vm0, $0x433D0000, v20  }
0x4b: {  	v18 =	vsel vm0, $0x434D0000, v18;
	v19 =	vsel vm1, $0x433E0000, v19;
	[tilespmem:v12+s5+$0x0] =	vst.idx.msk $0xffff, v17  }
0x4c: {  	v18 =	vsel vm1, $0x434E0000, v18;
	[tilespmem:v16+s5+$0x0] =	vst.idx.msk $0xffff, v19  }
0x4d: {  	[tilespmem:v14+s5+$0x0] =	vst.idx.msk $0xffff, v18  }
0x4e: {  	v28 =	vld.idx.msk [tilespmem:v23+s5+$0x0], $0xffff  }
0x4f: {  	s26 =	simm.s32 $0x0;
	v30 =	vld.idx.msk [tilespmem:v26+s5+$0x0], $0xffff  }
0x50: {  	s7 =	smul.u32 $0xD00, s26;
	v20 =	vlaneseq.u32;
	v32 =	vld.idx.msk [tilespmem:v31+s5+$0x0], $0xffff  }
0x51: {  	s8 =	sand.u32 $0xF, s3;
	v20 =	vmul.u32 $0x10, v20;
	v33 =	vld.idx.msk [tilespmem:v21+s5+$0x0], $0xffff  }
0x52: {  	s9 =	sor.u32 s8, s7;
	v40 =	vld.idx.msk [tilespmem:v39+s5+$0x0], $0xffff  }
0x53: {  	s7 =	sadd.s32 $0x100, s9;
	s8 =	sadd.s32 $0x200, s9;
	s10 =	sadd.s32 $0x600, s9;
	v42 =	vor.u32 s9, v20;
	v41 =	vld.idx.msk [tilespmem:v34+s5+$0x0], $0xffff  }
0x54: {  	s28 =	sadd.s32 $0x500, s9;
	v29 =	vor.u32 s7, v20;
	v27 =	vor.u32 s8, v20;
	v22 =	vor.u32 s10, v20;
	v24 =	vld.idx.msk [tilespmem:v13+s5+$0x0], $0xffff  }
0x55: {  	s29 =	sadd.s32 $0x300, s9;
	v25 =	vor.u32 s28, v20;
	v43 =	vld.idx.msk [tilespmem:v9+s5+$0x0], $0xffff;
	vm0 =	veq.f32 v28, v10;
	vm1 =	veq.f32 v30, v1  }
0x56: {  	s30 =	sadd.s32 $0x400, s9;
	v36 =	vld.idx.msk [tilespmem:v11+s5+$0x0], $0xffff;
	v30 =	vor.u32 s29, v20;
	v23 =	vnsel vm0, $0x186B0, v23;
	v35 =	vnsel vm1, $0x186B0, v26  }
0x57: {  	v28 =	vld.idx.msk [tilespmem:v15+s5+$0x0], $0xffff;
	vm0 =	veq.f32 v32, v2;
	v32 =	vor.u32 s30, v20;
	vm1 =	veq.f32 v33, v3  }
0x58: {  	s6 =	sadd.s32 $0x6A00, s6;
	s31 =	sadd.s32 $0x700, s9;
	s14 =	sadd.s32 $0x800, s9;
	v26 =	vld.idx.msk [tilespmem:v12+s5+$0x0], $0xffff;
	v37 =	vnsel vm0, $0x186B0, v31;
	v38 =	vnsel vm1, $0x186B0, v21;
	vm0 =	veq.f32 v41, v0  }
0x59: {  	s12 =	sadd.s32 $0x900, s9;
	s11 =	sadd.s32 $0xA00, s9;
	s7 =	simm.s32 $0x3400;
	v33 =	vld.idx.msk [tilespmem:v16+s5+$0x0], $0xffff;
	vm1 =	veq.f32 v40, v5;
	v31 =	vor.u32 s31, v20;
	v63 =	vnsel vm0, $0x186B0, v34  }
0x5a: {  	s13 =	sadd.s32 $0xB00, s9;
	s8 =	simm.s32 $0x1;
	s10 =	sadd.s32 $0xC00, s9;
	v21 =	vld.idx.msk [tilespmem:v14+s5+$0x0], $0xffff;
	v39 =	vnsel vm1, $0x186B0, v39;
	v34 =	vor.u32 s14, v20;
	vm0 =	veq.f32 v43, v6;
	[tilespmem:v42+s7+$0x0] =	vst.idx.msk $0xffff, v63  }
.LBB2_1:
0x5b: {  	p0 =	sne.s32 s8, $0x3F;
	[tilespmem:v29+s7+$0x0] =	vst.idx.msk $0xffff, v35;
	s3 =	sadd.s32 $0xD0, s3;
	s4 =	sadd.s32 $0xD0, s4  }
0x5c: {  	s9 =	smov.u32 s8;
	s8 =	sadd.s32 $0x1, s8;
	[tilespmem:v27+s7+$0x0] =	vst.idx.msk $0xffff, v37  }
0x5d: {  	vm1 =	veq.f32 v36, v4;
	v27 =	vor.u32 s13, v20;
	[tilespmem:v30+s7+$0x0] =	vst.idx.msk $0xffff, v38  }
0x5e: {  	v29 =	vor.u32 s12, v20;
	v11 =	vnsel vm1, $0x186B0, v11;
	vm1 =	veq.f32 v33, v19;
	[tilespmem:v32+s7+$0x0] =	vst.idx.msk $0xffff, v39  }
0x5f: {  	v9 =	vnsel vm0, $0x186B0, v9;
	vm0 =	veq.f32 v24, v8;
	[tilespmem:v25+s7+$0x0] =	vst.idx.msk $0xffff, v11;
	v11 =	vor.u32 s11, v20  }
0x60: {  	[tilespmem:v22+s7+$0x0] =	vst.idx.msk $0xffff, v9;
	v9 =	vnsel vm0, $0x186B0, v13;
	vm0 =	veq.f32 v28, v7;
	v13 =	vnsel vm1, $0x186B0, v16  }
0x61: {  	[tilespmem:v31+s7+$0x0] =	vst.idx.msk $0xffff, v9;
	v9 =	vnsel vm0, $0x186B0, v15;
	v15 =	vor.u32 s10, v20  }
0x62: {  	vm0 =	veq.f32 v26, v17;
	[tilespmem:v34+s7+$0x0] =	vst.idx.msk $0xffff, v9  }
0x63: {  	v9 =	vnsel vm0, $0x186B0, v12;
	[tilespmem:v29+s7+$0x0] =	vst.idx.msk $0xffff, v23  }
0x64: {  	s10 =	sand.u32 $0x3FF0, s3;
	vm0 =	veq.f32 v21, v18;
	[tilespmem:v11+s7+$0x0] =	vst.idx.msk $0xffff, v9  }
0x65: {  	v9 =	vnsel vm0, $0x186B0, v14;
	[tilespmem:v27+s7+$0x0] =	vst.idx.msk $0xffff, v13  }
0x66: {  	[tilespmem:v15+s7+$0x0] =	vst.idx.msk $0xffff, v9  }
0x67: {  	v9 =	vld [tilespmem:s4+$0x0]  }
0x68: {  	v11 =	vld [tilespmem:s4+$0xFFFFFFF0]  }
0x69: {  	v21 =	vld [tilespmem:s4+$0xFFFFFFD0]  }
0x6a: {  	v31 =	vld [tilespmem:s4+$0xFFFFFFC0]  }
0x6b: {  	v26 =	vld [tilespmem:s4+$0xFFFFFFB0]  }
0x6c: {  	v40 =	vld [tilespmem:s4+$0xFFFFFFA0]  }
0x6d: {  	v13 =	vld [tilespmem:s4+$0x10]  }
0x6e: {  	v34 =	vld [tilespmem:s4+$0xFFFFFFE0]  }
0x6f: {  	v12 =	vld [tilespmem:s4+$0x40]  }
0x70: {  	v23 =	vld [tilespmem:s4+$0x30]  }
0x71: {  	v15 =	vld [tilespmem:s10+$0x80]  }
0x72: {  	v16 =	vld [tilespmem:s4+$0x50]  }
0x73: {  	v14 =	vld [tilespmem:s4+$0x60]  }
0x74: {  	[tilespmem:v40+s5+$0x0] =	vst.idx.msk $0xffff, v0  }
0x75: {  	[tilespmem:v26+s5+$0x0] =	vst.idx.msk $0xffff, v1  }
0x76: {  	[tilespmem:v31+s5+$0x0] =	vst.idx.msk $0xffff, v2  }
0x77: {  	[tilespmem:v21+s5+$0x0] =	vst.idx.msk $0xffff, v3  }
0x78: {  	[tilespmem:v34+s5+$0x0] =	vst.idx.msk $0xffff, v5  }
0x79: {  	[tilespmem:v11+s5+$0x0] =	vst.idx.msk $0xffff, v4  }
0x7a: {  	[tilespmem:v9+s5+$0x0] =	vst.idx.msk $0xffff, v6  }
0x7b: {  	[tilespmem:v13+s5+$0x0] =	vst.idx.msk $0xffff, v8  }
0x7c: {  	[tilespmem:v15+s5+$0x0] =	vst.idx.msk $0xffff, v7  }
0x7d: {  	[tilespmem:v23+s5+$0x0] =	vst.idx.msk $0xffff, v10  }
0x7e: {  	s10 =	sshrl.u32 s9, $0x4;
	[tilespmem:v12+s5+$0x0] =	vst.idx.msk $0xffff, v17  }
0x7f: {  	s10 =	smul.u32 $0xD00, s10;
	[tilespmem:v16+s5+$0x0] =	vst.idx.msk $0xffff, v19  }
0x80: {  	s9 =	sand.u32 $0xF, s9;
	[tilespmem:v14+s5+$0x0] =	vst.idx.msk $0xffff, v18  }
0x81: {  	s9 =	sor.u32 s9, s10;
	v28 =	vld.idx.msk [tilespmem:v23+s5+$0x0], $0xffff  }
0x82: {  	v41 =	vor.u32 s9, v20;
	s10 =	sadd.s32 $0x100, s9;
	s11 =	sadd.s32 $0x200, s9;
	s14 =	sadd.s32 $0x300, s9;
	v32 =	vld.idx.msk [tilespmem:v26+s5+$0x0], $0xffff  }
0x83: {  	s15 =	sadd.s32 $0x400, s9;
	v29 =	vor.u32 s10, v20;
	v27 =	vor.u32 s11, v20;
	s10 =	sadd.s32 $0x500, s9;
	s11 =	sadd.s32 $0x600, s9;
	v33 =	vld.idx.msk [tilespmem:v31+s5+$0x0], $0xffff  }
0x84: {  	s16 =	sadd.s32 $0x700, s9;
	s17 =	sadd.s32 $0x800, s9;
	s12 =	sadd.s32 $0x900, s9;
	v22 =	vor.u32 s11, v20;
	v36 =	vld.idx.msk [tilespmem:v21+s5+$0x0], $0xffff  }
0x85: {  	s13 =	sadd.s32 $0xB00, s9;
	v25 =	vor.u32 s10, v20;
	s11 =	sadd.s32 $0xA00, s9;
	s10 =	sadd.s32 $0xC00, s9;
	v39 =	vld.idx.msk [tilespmem:v34+s5+$0x0], $0xffff  }
0x86: {  	v30 =	vor.u32 s14, v20;
	v42 =	vld.idx.msk [tilespmem:v40+s5+$0x0], $0xffff  }
0x87: {  	vm0 =	veq.f32 v28, v10;
	v24 =	vld.idx.msk [tilespmem:v13+s5+$0x0], $0xffff  }
0x88: {  	vm1 =	veq.f32 v32, v1;
	v23 =	vnsel vm0, $0x186B0, v23;
	v43 =	vld.idx.msk [tilespmem:v9+s5+$0x0], $0xffff  }
0x89: {  	v32 =	vor.u32 s15, v20;
	v35 =	vnsel vm1, $0x186B0, v26;
	vm0 =	veq.f32 v33, v2;
	v28 =	vld.idx.msk [tilespmem:v15+s5+$0x0], $0xffff  }
.Ltmp0:
0x8a: {  	v37 =	vnsel vm0, $0x186B0, v31;
	vm0 =	veq.f32 v36, v3;
	v26 =	vld.idx.msk [tilespmem:v12+s5+$0x0], $0xffff;
	(pc) =	sbr.rel @p0 .LBB2_1-.Ltmp0, $4  }
0x8b: {  	v31 =	vor.u32 s16, v20;
	v38 =	vnsel vm0, $0x186B0, v21;
	vm0 =	veq.f32 v39, v5;
	v36 =	vld.idx.msk [tilespmem:v11+s5+$0x0], $0xffff  }
0x8c: {  	vm1 =	veq.f32 v42, v0;
	v39 =	vnsel vm0, $0x186B0, v34;
	v34 =	vor.u32 s17, v20;
	v33 =	vld.idx.msk [tilespmem:v16+s5+$0x0], $0xffff  }
0x8d: {  	v40 =	vnsel vm1, $0x186B0, v40;
	v21 =	vld.idx.msk [tilespmem:v14+s5+$0x0], $0xffff  }
0x8e: {  	vm0 =	veq.f32 v43, v6;
	[tilespmem:v41+s7+$0x0] =	vst.idx.msk $0xffff, v40  }
0x8f: {  	_ =	sdelay $0x3  }
0x90: {  	[tilespmem:v29+s7+$0x0] =	vst.idx.msk $0xffff, v35  }
0x91: {  	[tilespmem:v27+s7+$0x0] =	vst.idx.msk $0xffff, v37  }
0x92: {  	vm1 =	veq.f32 v36, v4;
	[tilespmem:v30+s7+$0x0] =	vst.idx.msk $0xffff, v38  }
0x93: {  	v1 =	vor.u32 s12, v20;
	v0 =	vnsel vm1, $0x186B0, v11;
	[tilespmem:v32+s7+$0x0] =	vst.idx.msk $0xffff, v39  }
0x94: {  	vm11 =	veq.f32 v24, v8;
	v2 =	vor.u32 s11, v20;
	[tilespmem:v25+s7+$0x0] =	vst.idx.msk $0xffff, v0;
	v0 =	vnsel vm0, $0x186B0, v9  }
0x95: {  	v3 =	vor.u32 s13, v20;
	vm12 =	veq.f32 v28, v7;
	[tilespmem:v22+s7+$0x0] =	vst.idx.msk $0xffff, v0;
	v0 =	vnsel vm11, $0x186B0, v13  }
0x96: {  	v4 =	vor.u32 s10, v20;
	[tilespmem:v31+s7+$0x0] =	vst.idx.msk $0xffff, v0;
	v0 =	vnsel vm12, $0x186B0, v15  }
0x97: {  	vm13 =	veq.f32 v26, v17;
	[tilespmem:v34+s7+$0x0] =	vst.idx.msk $0xffff, v0  }
0x98: {  	vm14 =	veq.f32 v33, v19;
	v0 =	vnsel vm13, $0x186B0, v12;
	[tilespmem:v1+s7+$0x0] =	vst.idx.msk $0xffff, v23  }
0x99: {  	vm15 =	veq.f32 v21, v18;
	v1 =	vnsel vm14, $0x186B0, v16;
	[tilespmem:v2+s7+$0x0] =	vst.idx.msk $0xffff, v0  }
0x9a: {  	v0 =	vnsel vm15, $0x186B0, v14;
	[tilespmem:v3+s7+$0x0] =	vst.idx.msk $0xffff, v1  }
0x9b: {  	s4 =	simm.s32 $0x0;
	s3 =	simm.s32 $0x6800;
	s30 =	simm.s32 $0x1;
	[tilespmem:v4+s7+$0x0] =	vst.idx.msk $0xffff, v0  }
0x9c: {  	[tilespmem:s3], [sflag:$0x1] =	stream.linear.gather [hbm4b:s6+s4], $0x18700, $0x38;
	[tilespmem:$0x1F000] =	vst v63  }
0x9d: {  	_ =	swait.ge [sflag:s30], $0x18700  }
0x9e: {  	[sflag:s30] =	ssyncset.done $0x0  }
0x9f: {  	[sflag:s30] =	ssyncadd.s32 $0xFFFE7900  }
0xa0: {  	s31 =	simm.s32 $0x0;
	v0 =	vld [tilespmem:$0x1EF80]  }
0xa1: {  	v1 =	vld [tilespmem:s31+$0x3470]  }
0xa2: {  	v2 =	vld [tilespmem:s31+$0x3400]  }
0xa3: {  	v3 =	vld [tilespmem:s31+$0x3410]  }
0xa4: {  	v4 =	vld [tilespmem:s31+$0x3420]  }
0xa5: {  	v5 =	vld [tilespmem:s31+$0x3430]  }
0xa6: {  	v6 =	vld [tilespmem:s31+$0x3440]  }
0xa7: {  	v8 =	vld [tilespmem:s31+$0x3460]  }
0xa8: {  	v7 =	vld [tilespmem:s31+$0x3450]  }
0xa9: {  	v1 =	vld.idx.msk [tilespmem:v1+s3+$0x0], $0xffff  }
0xaa: {  	v2 =	vld.idx.msk [tilespmem:v2+s3+$0x0], $0xffff  }
0xab: {  	v13 =	vld.idx.msk [tilespmem:v3+s3+$0x0], $0xffff  }
0xac: {  	v12 =	vld.idx.msk [tilespmem:v4+s3+$0x0], $0xffff  }
0xad: {  	v11 =	vld.idx.msk [tilespmem:v5+s3+$0x0], $0xffff  }
0xae: {  	v3 =	vimm.f32 $0.0e+00;
	v10 =	vld.idx.msk [tilespmem:v6+s3+$0x0], $0xffff;
	v5 =	vimm.f32 $0.0e+00  }
0xaf: {  	v4 =	vimm.f32 $0.0e+00;
	v14 =	vld.idx.msk [tilespmem:v8+s3+$0x0], $0xffff;
	v8 =	vimm.f32 $0.0e+00;
	v6 =	vimm.f32 $0.0e+00  }
0xb0: {  	s5 =	simm.s32 $0x80;
	s4 =	simm.s32 $0x400;
	v9 =	vld.idx.msk [tilespmem:v7+s3+$0x0], $0xffff;
	v7 =	vimm.f32 $0.0e+00;
	v1 =	vadd.f32 v1, v3;
	v2 =	vadd.f32 v2, v3  }
.LBB2_3:
0xb1: {  	p0 =	sne.s32 s4, $0x3200;
	v15 =	vld [tilespmem:s5+$0x3470];
	v3 =	vadd.f32 v13, v3  }
0xb2: {  	v5 =	vadd.f32 v12, v5;
	v13 =	vld [tilespmem:s5+$0x3400]  }
0xb3: {  	v4 =	vadd.f32 v11, v4;
	v12 =	vld [tilespmem:s5+$0x3410]  }
0xb4: {  	v8 =	vadd.f32 v10, v8;
	v11 =	vld [tilespmem:s5+$0x3420]  }
0xb5: {  	v6 =	vadd.f32 v9, v6;
	v10 =	vld [tilespmem:s5+$0x3430]  }
0xb6: {  	v7 =	vadd.f32 v14, v7;
	v9 =	vld [tilespmem:s5+$0x3440]  }
0xb7: {  	v14 =	vld [tilespmem:s5+$0x3450]  }
0xb8: {  	v16 =	vld [tilespmem:s5+$0x3460]  }
0xb9: {  	v15 =	vld.idx.msk [tilespmem:v15+s3+$0x0], $0xffff  }
0xba: {  	v17 =	vld.idx.msk [tilespmem:v13+s3+$0x0], $0xffff  }
0xbb: {  	v13 =	vld.idx.msk [tilespmem:v12+s3+$0x0], $0xffff  }
.Ltmp1:
0xbc: {  	v12 =	vld.idx.msk [tilespmem:v11+s3+$0x0], $0xffff;
	(pc) =	sbr.rel @p0 .LBB2_3-.Ltmp1, $4  }
0xbd: {  	v11 =	vld.idx.msk [tilespmem:v10+s3+$0x0], $0xffff  }
0xbe: {  	v10 =	vld.idx.msk [tilespmem:v9+s3+$0x0], $0xffff  }
0xbf: {  	v1 =	vadd.f32 v15, v1;
	v9 =	vld.idx.msk [tilespmem:v14+s3+$0x0], $0xffff  }
0xc0: {  	s5 =	sshra.s32 s4, $0x2;
	s4 =	sadd.s32 $0x200, s4;
	v2 =	vadd.f32 v17, v2;
	v14 =	vld.idx.msk [tilespmem:v16+s3+$0x0], $0xffff  }
0xc1: {  	v15 =	vld [tilespmem:s5+$0x3470]  }
0xc2: {  	v16 =	vld [tilespmem:s5+$0x3400]  }
0xc3: {  	v17 =	vld [tilespmem:s5+$0x3410]  }
0xc4: {  	v18 =	vld [tilespmem:s5+$0x3420]  }
0xc5: {  	v19 =	vld [tilespmem:s5+$0x3430]  }
0xc6: {  	v20 =	vld [tilespmem:s5+$0x3440]  }
0xc7: {  	v21 =	vld [tilespmem:s5+$0x3450]  }
0xc8: {  	v22 =	vld [tilespmem:s5+$0x3460]  }
0xc9: {  	v15 =	vld.idx.msk [tilespmem:v15+s3+$0x0], $0xffff  }
0xca: {  	v16 =	vld.idx.msk [tilespmem:v16+s3+$0x0], $0xffff  }
0xcb: {  	v17 =	vld.idx.msk [tilespmem:v17+s3+$0x0], $0xffff  }
0xcc: {  	v18 =	vld.idx.msk [tilespmem:v18+s3+$0x0], $0xffff  }
0xcd: {  	v19 =	vld.idx.msk [tilespmem:v19+s3+$0x0], $0xffff  }
0xce: {  	v20 =	vld.idx.msk [tilespmem:v20+s3+$0x0], $0xffff  }
0xcf: {  	v3 =	vadd.f32 v13, v3;
	v5 =	vadd.f32 v12, v5;
	v12 =	vld.idx.msk [tilespmem:v21+s3+$0x0], $0xffff  }
0xd0: {  	v4 =	vadd.f32 v11, v4;
	v8 =	vadd.f32 v10, v8;
	v10 =	vld.idx.msk [tilespmem:v22+s3+$0x0], $0xffff  }
0xd1: {  	v6 =	vadd.f32 v9, v6;
	v7 =	vadd.f32 v14, v7  }
0xd2: {  	v1 =	vadd.f32 v15, v1;
	v2 =	vadd.f32 v16, v2  }
0xd3: {  	v3 =	vadd.f32 v17, v3;
	v5 =	vadd.f32 v18, v5  }
0xd4: {  	v4 =	vadd.f32 v19, v4;
	v8 =	vadd.f32 v20, v8  }
0xd5: {  	v6 =	vadd.f32 v12, v6;
	v7 =	vadd.f32 v10, v7  }
0xd6: {  	v2 =	vadd.f32 v3, v2;
	v3 =	vadd.f32 v4, v5  }
0xd7: {  	v4 =	vadd.f32 v6, v8;
	v1 =	vadd.f32 v1, v7;
	_ =	sdelay $0x1  }
0xd8: {  	v2 =	vadd.f32 v3, v2;
	v1 =	vadd.f32 v1, v4;
	_ =	sdelay $0x1  }
0xd9: {  	v1 =	vadd.f32 v1, v2;
	_ =	sdelay $0x1  }
0xda: {  	v1 =	vadd.f32 v1, v0;
	_ =	sdelay $0x1  }
0xdb: {  	s4 =	simm.s32 $0x0;
	[tilespmem:$0x1EF00] =	vst v1  }
0xdc: {  	v1 =	vld [tilespmem:s4+$0x4170]  }
0xdd: {  	v2 =	vld [tilespmem:s4+$0x4100]  }
0xde: {  	v3 =	vld [tilespmem:s4+$0x4110]  }
0xdf: {  	v4 =	vld [tilespmem:s4+$0x4120]  }
0xe0: {  	v5 =	vld [tilespmem:s4+$0x4130]  }
0xe1: {  	v6 =	vld [tilespmem:s4+$0x4140]  }
0xe2: {  	v8 =	vld [tilespmem:s4+$0x4160]  }
0xe3: {  	s3 =	simm.s32 $0x6800;
	v7 =	vld [tilespmem:s4+$0x4150]  }
0xe4: {  	v1 =	vld.idx.msk [tilespmem:v1+s3+$0x0], $0xffff  }
0xe5: {  	v2 =	vld.idx.msk [tilespmem:v2+s3+$0x0], $0xffff  }
0xe6: {  	v13 =	vld.idx.msk [tilespmem:v3+s3+$0x0], $0xffff  }
0xe7: {  	v12 =	vld.idx.msk [tilespmem:v4+s3+$0x0], $0xffff  }
0xe8: {  	v11 =	vld.idx.msk [tilespmem:v5+s3+$0x0], $0xffff  }
0xe9: {  	v3 =	vimm.f32 $0.0e+00;
	v10 =	vld.idx.msk [tilespmem:v6+s3+$0x0], $0xffff;
	v5 =	vimm.f32 $0.0e+00  }
0xea: {  	v4 =	vimm.f32 $0.0e+00;
	v14 =	vld.idx.msk [tilespmem:v8+s3+$0x0], $0xffff;
	v8 =	vimm.f32 $0.0e+00;
	v6 =	vimm.f32 $0.0e+00  }
0xeb: {  	s5 =	simm.s32 $0x80;
	s4 =	simm.s32 $0x400;
	v9 =	vld.idx.msk [tilespmem:v7+s3+$0x0], $0xffff;
	v7 =	vimm.f32 $0.0e+00;
	v1 =	vadd.f32 v1, v3;
	v2 =	vadd.f32 v2, v3  }
.LBB2_5:
0xec: {  	p0 =	sne.s32 s4, $0x3200;
	v15 =	vld [tilespmem:s5+$0x4170];
	v3 =	vadd.f32 v13, v3  }
0xed: {  	v5 =	vadd.f32 v12, v5;
	v13 =	vld [tilespmem:s5+$0x4100]  }
0xee: {  	v4 =	vadd.f32 v11, v4;
	v12 =	vld [tilespmem:s5+$0x4110]  }
0xef: {  	v8 =	vadd.f32 v10, v8;
	v11 =	vld [tilespmem:s5+$0x4120]  }
0xf0: {  	v6 =	vadd.f32 v9, v6;
	v10 =	vld [tilespmem:s5+$0x4130]  }
0xf1: {  	v7 =	vadd.f32 v14, v7;
	v9 =	vld [tilespmem:s5+$0x4140]  }
0xf2: {  	v14 =	vld [tilespmem:s5+$0x4150]  }
0xf3: {  	v16 =	vld [tilespmem:s5+$0x4160]  }
0xf4: {  	v15 =	vld.idx.msk [tilespmem:v15+s3+$0x0], $0xffff  }
0xf5: {  	v17 =	vld.idx.msk [tilespmem:v13+s3+$0x0], $0xffff  }
0xf6: {  	v13 =	vld.idx.msk [tilespmem:v12+s3+$0x0], $0xffff  }
.Ltmp2:
0xf7: {  	v12 =	vld.idx.msk [tilespmem:v11+s3+$0x0], $0xffff;
	(pc) =	sbr.rel @p0 .LBB2_5-.Ltmp2, $4  }
0xf8: {  	v11 =	vld.idx.msk [tilespmem:v10+s3+$0x0], $0xffff  }
0xf9: {  	v10 =	vld.idx.msk [tilespmem:v9+s3+$0x0], $0xffff  }
0xfa: {  	v1 =	vadd.f32 v15, v1;
	v9 =	vld.idx.msk [tilespmem:v14+s3+$0x0], $0xffff  }
0xfb: {  	s5 =	sshra.s32 s4, $0x2;
	s4 =	sadd.s32 $0x200, s4;
	v2 =	vadd.f32 v17, v2;
	v14 =	vld.idx.msk [tilespmem:v16+s3+$0x0], $0xffff  }
0xfc: {  	v15 =	vld [tilespmem:s5+$0x4170]  }
0xfd: {  	v16 =	vld [tilespmem:s5+$0x4100]  }
0xfe: {  	v17 =	vld [tilespmem:s5+$0x4110]  }
0xff: {  	v18 =	vld [tilespmem:s5+$0x4120]  }
0x100: {  	v19 =	vld [tilespmem:s5+$0x4130]  }
0x101: {  	v20 =	vld [tilespmem:s5+$0x4140]  }
0x102: {  	v21 =	vld [tilespmem:s5+$0x4150]  }
0x103: {  	v22 =	vld [tilespmem:s5+$0x4160]  }
0x104: {  	v15 =	vld.idx.msk [tilespmem:v15+s3+$0x0], $0xffff  }
0x105: {  	v16 =	vld.idx.msk [tilespmem:v16+s3+$0x0], $0xffff  }
0x106: {  	v17 =	vld.idx.msk [tilespmem:v17+s3+$0x0], $0xffff  }
0x107: {  	v18 =	vld.idx.msk [tilespmem:v18+s3+$0x0], $0xffff  }
0x108: {  	v19 =	vld.idx.msk [tilespmem:v19+s3+$0x0], $0xffff  }
0x109: {  	v20 =	vld.idx.msk [tilespmem:v20+s3+$0x0], $0xffff  }
0x10a: {  	v3 =	vadd.f32 v13, v3;
	v5 =	vadd.f32 v12, v5;
	v12 =	vld.idx.msk [tilespmem:v21+s3+$0x0], $0xffff  }
0x10b: {  	v4 =	vadd.f32 v11, v4;
	v8 =	vadd.f32 v10, v8;
	v10 =	vld.idx.msk [tilespmem:v22+s3+$0x0], $0xffff  }
0x10c: {  	v6 =	vadd.f32 v9, v6;
	v7 =	vadd.f32 v14, v7  }
0x10d: {  	v1 =	vadd.f32 v15, v1;
	v2 =	vadd.f32 v16, v2  }
0x10e: {  	v3 =	vadd.f32 v17, v3;
	v5 =	vadd.f32 v18, v5  }
0x10f: {  	v4 =	vadd.f32 v19, v4;
	v8 =	vadd.f32 v20, v8  }
0x110: {  	v6 =	vadd.f32 v12, v6;
	v7 =	vadd.f32 v10, v7  }
0x111: {  	v2 =	vadd.f32 v3, v2;
	v3 =	vadd.f32 v4, v5  }
0x112: {  	v4 =	vadd.f32 v6, v8;
	v1 =	vadd.f32 v1, v7;
	_ =	sdelay $0x1  }
0x113: {  	v2 =	vadd.f32 v3, v2;
	v1 =	vadd.f32 v1, v4;
	_ =	sdelay $0x1  }
0x114: {  	v1 =	vadd.f32 v1, v2;
	_ =	sdelay $0x1  }
0x115: {  	v1 =	vadd.f32 v1, v0;
	_ =	sdelay $0x1  }
0x116: {  	s4 =	simm.s32 $0x0;
	[tilespmem:$0x1EF10] =	vst v1  }
0x117: {  	v1 =	vld [tilespmem:s4+$0x4E70]  }
0x118: {  	v2 =	vld [tilespmem:s4+$0x4E00]  }
0x119: {  	v3 =	vld [tilespmem:s4+$0x4E10]  }
0x11a: {  	v4 =	vld [tilespmem:s4+$0x4E20]  }
0x11b: {  	v5 =	vld [tilespmem:s4+$0x4E30]  }
0x11c: {  	v6 =	vld [tilespmem:s4+$0x4E40]  }
0x11d: {  	v8 =	vld [tilespmem:s4+$0x4E60]  }
0x11e: {  	s3 =	simm.s32 $0x6800;
	v7 =	vld [tilespmem:s4+$0x4E50]  }
0x11f: {  	v1 =	vld.idx.msk [tilespmem:v1+s3+$0x0], $0xffff  }
0x120: {  	v2 =	vld.idx.msk [tilespmem:v2+s3+$0x0], $0xffff  }
0x121: {  	v13 =	vld.idx.msk [tilespmem:v3+s3+$0x0], $0xffff  }
0x122: {  	v12 =	vld.idx.msk [tilespmem:v4+s3+$0x0], $0xffff  }
0x123: {  	v11 =	vld.idx.msk [tilespmem:v5+s3+$0x0], $0xffff  }
0x124: {  	v3 =	vimm.f32 $0.0e+00;
	v10 =	vld.idx.msk [tilespmem:v6+s3+$0x0], $0xffff;
	v5 =	vimm.f32 $0.0e+00  }
0x125: {  	v4 =	vimm.f32 $0.0e+00;
	v14 =	vld.idx.msk [tilespmem:v8+s3+$0x0], $0xffff;
	v8 =	vimm.f32 $0.0e+00;
	v6 =	vimm.f32 $0.0e+00  }
0x126: {  	s5 =	simm.s32 $0x80;
	s4 =	simm.s32 $0x400;
	v9 =	vld.idx.msk [tilespmem:v7+s3+$0x0], $0xffff;
	v7 =	vimm.f32 $0.0e+00;
	v1 =	vadd.f32 v1, v3;
	v2 =	vadd.f32 v2, v3  }
.LBB2_7:
0x127: {  	p0 =	sne.s32 s4, $0x3200;
	v15 =	vld [tilespmem:s5+$0x4E70];
	v3 =	vadd.f32 v13, v3  }
0x128: {  	v5 =	vadd.f32 v12, v5;
	v13 =	vld [tilespmem:s5+$0x4E00]  }
0x129: {  	v4 =	vadd.f32 v11, v4;
	v12 =	vld [tilespmem:s5+$0x4E10]  }
0x12a: {  	v8 =	vadd.f32 v10, v8;
	v11 =	vld [tilespmem:s5+$0x4E20]  }
0x12b: {  	v6 =	vadd.f32 v9, v6;
	v10 =	vld [tilespmem:s5+$0x4E30]  }
0x12c: {  	v7 =	vadd.f32 v14, v7;
	v9 =	vld [tilespmem:s5+$0x4E40]  }
0x12d: {  	v14 =	vld [tilespmem:s5+$0x4E50]  }
0x12e: {  	v16 =	vld [tilespmem:s5+$0x4E60]  }
0x12f: {  	v15 =	vld.idx.msk [tilespmem:v15+s3+$0x0], $0xffff  }
0x130: {  	v17 =	vld.idx.msk [tilespmem:v13+s3+$0x0], $0xffff  }
0x131: {  	v13 =	vld.idx.msk [tilespmem:v12+s3+$0x0], $0xffff  }
.Ltmp3:
0x132: {  	v12 =	vld.idx.msk [tilespmem:v11+s3+$0x0], $0xffff;
	(pc) =	sbr.rel @p0 .LBB2_7-.Ltmp3, $4  }
0x133: {  	v11 =	vld.idx.msk [tilespmem:v10+s3+$0x0], $0xffff  }
0x134: {  	v10 =	vld.idx.msk [tilespmem:v9+s3+$0x0], $0xffff  }
0x135: {  	v1 =	vadd.f32 v15, v1;
	v9 =	vld.idx.msk [tilespmem:v14+s3+$0x0], $0xffff  }
0x136: {  	s5 =	sshra.s32 s4, $0x2;
	s4 =	sadd.s32 $0x200, s4;
	v2 =	vadd.f32 v17, v2;
	v14 =	vld.idx.msk [tilespmem:v16+s3+$0x0], $0xffff  }
0x137: {  	v15 =	vld [tilespmem:s5+$0x4E70]  }
0x138: {  	v16 =	vld [tilespmem:s5+$0x4E00]  }
0x139: {  	v17 =	vld [tilespmem:s5+$0x4E10]  }
0x13a: {  	v18 =	vld [tilespmem:s5+$0x4E20]  }
0x13b: {  	v19 =	vld [tilespmem:s5+$0x4E30]  }
0x13c: {  	v20 =	vld [tilespmem:s5+$0x4E40]  }
0x13d: {  	v21 =	vld [tilespmem:s5+$0x4E50]  }
0x13e: {  	v22 =	vld [tilespmem:s5+$0x4E60]  }
0x13f: {  	v15 =	vld.idx.msk [tilespmem:v15+s3+$0x0], $0xffff  }
0x140: {  	v16 =	vld.idx.msk [tilespmem:v16+s3+$0x0], $0xffff  }
0x141: {  	v17 =	vld.idx.msk [tilespmem:v17+s3+$0x0], $0xffff  }
0x142: {  	v18 =	vld.idx.msk [tilespmem:v18+s3+$0x0], $0xffff  }
0x143: {  	v19 =	vld.idx.msk [tilespmem:v19+s3+$0x0], $0xffff  }
0x144: {  	v20 =	vld.idx.msk [tilespmem:v20+s3+$0x0], $0xffff  }
0x145: {  	v3 =	vadd.f32 v13, v3;
	v5 =	vadd.f32 v12, v5;
	v12 =	vld.idx.msk [tilespmem:v21+s3+$0x0], $0xffff  }
0x146: {  	v4 =	vadd.f32 v11, v4;
	v8 =	vadd.f32 v10, v8;
	v10 =	vld.idx.msk [tilespmem:v22+s3+$0x0], $0xffff  }
0x147: {  	v6 =	vadd.f32 v9, v6;
	v7 =	vadd.f32 v14, v7  }
0x148: {  	v1 =	vadd.f32 v15, v1;
	v2 =	vadd.f32 v16, v2  }
0x149: {  	v3 =	vadd.f32 v17, v3;
	v5 =	vadd.f32 v18, v5  }
0x14a: {  	v4 =	vadd.f32 v19, v4;
	v8 =	vadd.f32 v20, v8  }
0x14b: {  	v6 =	vadd.f32 v12, v6;
	v7 =	vadd.f32 v10, v7  }
0x14c: {  	v2 =	vadd.f32 v3, v2;
	v3 =	vadd.f32 v4, v5  }
0x14d: {  	v4 =	vadd.f32 v6, v8;
	v1 =	vadd.f32 v1, v7;
	_ =	sdelay $0x1  }
0x14e: {  	v2 =	vadd.f32 v3, v2;
	v1 =	vadd.f32 v1, v4;
	_ =	sdelay $0x1  }
0x14f: {  	v1 =	vadd.f32 v1, v2;
	_ =	sdelay $0x1  }
0x150: {  	v1 =	vadd.f32 v1, v0;
	_ =	sdelay $0x1  }
0x151: {  	s4 =	simm.s32 $0x0;
	[tilespmem:$0x1EF20] =	vst v1  }
0x152: {  	v1 =	vld [tilespmem:s4+$0x5B70]  }
0x153: {  	v2 =	vld [tilespmem:s4+$0x5B00]  }
0x154: {  	v3 =	vld [tilespmem:s4+$0x5B10]  }
0x155: {  	v4 =	vld [tilespmem:s4+$0x5B20]  }
0x156: {  	v5 =	vld [tilespmem:s4+$0x5B30]  }
0x157: {  	v6 =	vld [tilespmem:s4+$0x5B40]  }
0x158: {  	v8 =	vld [tilespmem:s4+$0x5B60]  }
0x159: {  	s3 =	simm.s32 $0x6800;
	v7 =	vld [tilespmem:s4+$0x5B50]  }
0x15a: {  	v1 =	vld.idx.msk [tilespmem:v1+s3+$0x0], $0xffff  }
0x15b: {  	v2 =	vld.idx.msk [tilespmem:v2+s3+$0x0], $0xffff  }
0x15c: {  	v13 =	vld.idx.msk [tilespmem:v3+s3+$0x0], $0xffff  }
0x15d: {  	v12 =	vld.idx.msk [tilespmem:v4+s3+$0x0], $0xffff  }
0x15e: {  	v11 =	vld.idx.msk [tilespmem:v5+s3+$0x0], $0xffff  }
0x15f: {  	v3 =	vimm.f32 $0.0e+00;
	v10 =	vld.idx.msk [tilespmem:v6+s3+$0x0], $0xffff;
	v5 =	vimm.f32 $0.0e+00  }
0x160: {  	v4 =	vimm.f32 $0.0e+00;
	v14 =	vld.idx.msk [tilespmem:v8+s3+$0x0], $0xffff;
	v8 =	vimm.f32 $0.0e+00;
	v6 =	vimm.f32 $0.0e+00  }
0x161: {  	s5 =	simm.s32 $0x80;
	s4 =	simm.s32 $0x400;
	v9 =	vld.idx.msk [tilespmem:v7+s3+$0x0], $0xffff;
	v7 =	vimm.f32 $0.0e+00;
	v1 =	vadd.f32 v1, v3;
	v2 =	vadd.f32 v2, v3  }
.LBB2_9:
0x162: {  	p0 =	sne.s32 s4, $0x3200;
	v15 =	vld [tilespmem:s5+$0x5B70];
	v3 =	vadd.f32 v13, v3  }
0x163: {  	v5 =	vadd.f32 v12, v5;
	v13 =	vld [tilespmem:s5+$0x5B00]  }
0x164: {  	v4 =	vadd.f32 v11, v4;
	v12 =	vld [tilespmem:s5+$0x5B10]  }
0x165: {  	v8 =	vadd.f32 v10, v8;
	v11 =	vld [tilespmem:s5+$0x5B20]  }
0x166: {  	v6 =	vadd.f32 v9, v6;
	v10 =	vld [tilespmem:s5+$0x5B30]  }
0x167: {  	v7 =	vadd.f32 v14, v7;
	v9 =	vld [tilespmem:s5+$0x5B40]  }
0x168: {  	v14 =	vld [tilespmem:s5+$0x5B50]  }
0x169: {  	v16 =	vld [tilespmem:s5+$0x5B60]  }
0x16a: {  	v15 =	vld.idx.msk [tilespmem:v15+s3+$0x0], $0xffff  }
0x16b: {  	v17 =	vld.idx.msk [tilespmem:v13+s3+$0x0], $0xffff  }
0x16c: {  	v13 =	vld.idx.msk [tilespmem:v12+s3+$0x0], $0xffff  }
.Ltmp4:
0x16d: {  	v12 =	vld.idx.msk [tilespmem:v11+s3+$0x0], $0xffff;
	(pc) =	sbr.rel @p0 .LBB2_9-.Ltmp4, $4  }
0x16e: {  	v11 =	vld.idx.msk [tilespmem:v10+s3+$0x0], $0xffff  }
0x16f: {  	v10 =	vld.idx.msk [tilespmem:v9+s3+$0x0], $0xffff  }
0x170: {  	v1 =	vadd.f32 v15, v1;
	v9 =	vld.idx.msk [tilespmem:v14+s3+$0x0], $0xffff  }
0x171: {  	s5 =	sshra.s32 s4, $0x2;
	s4 =	sadd.s32 $0x200, s4;
	v2 =	vadd.f32 v17, v2;
	v14 =	vld.idx.msk [tilespmem:v16+s3+$0x0], $0xffff  }
0x172: {  	v15 =	vld [tilespmem:s5+$0x5B70]  }
0x173: {  	v16 =	vld [tilespmem:s5+$0x5B00]  }
0x174: {  	v17 =	vld [tilespmem:s5+$0x5B10]  }
0x175: {  	v18 =	vld [tilespmem:s5+$0x5B20]  }
0x176: {  	v19 =	vld [tilespmem:s5+$0x5B30]  }
0x177: {  	v20 =	vld [tilespmem:s5+$0x5B40]  }
0x178: {  	v21 =	vld [tilespmem:s5+$0x5B50]  }
0x179: {  	v22 =	vld [tilespmem:s5+$0x5B60]  }
0x17a: {  	v15 =	vld.idx.msk [tilespmem:v15+s3+$0x0], $0xffff  }
0x17b: {  	v16 =	vld.idx.msk [tilespmem:v16+s3+$0x0], $0xffff  }
0x17c: {  	v17 =	vld.idx.msk [tilespmem:v17+s3+$0x0], $0xffff  }
0x17d: {  	v18 =	vld.idx.msk [tilespmem:v18+s3+$0x0], $0xffff  }
0x17e: {  	v19 =	vld.idx.msk [tilespmem:v19+s3+$0x0], $0xffff  }
0x17f: {  	v20 =	vld.idx.msk [tilespmem:v20+s3+$0x0], $0xffff  }
0x180: {  	v3 =	vadd.f32 v13, v3;
	v5 =	vadd.f32 v12, v5;
	v60 =	vld.idx.msk [tilespmem:v21+s3+$0x0], $0xffff  }
0x181: {  	v4 =	vadd.f32 v11, v4;
	v8 =	vadd.f32 v10, v8;
	v61 =	vld.idx.msk [tilespmem:v22+s3+$0x0], $0xffff  }
0x182: {  	v6 =	vadd.f32 v9, v6;
	v7 =	vadd.f32 v14, v7  }
0x183: {  	v1 =	vadd.f32 v15, v1;
	v2 =	vadd.f32 v16, v2  }
0x184: {  	v3 =	vadd.f32 v17, v3;
	v5 =	vadd.f32 v18, v5  }
0x185: {  	v4 =	vadd.f32 v19, v4;
	v8 =	vadd.f32 v20, v8  }
0x186: {  	v6 =	vadd.f32 v60, v6;
	v7 =	vadd.f32 v61, v7  }
0x187: {  	v2 =	vadd.f32 v3, v2;
	v62 =	vadd.f32 v4, v5  }
0x188: {  	v63 =	vadd.f32 v6, v8;
	v1 =	vadd.f32 v1, v7;
	_ =	sdelay $0x1  }
0x189: {  	v2 =	vadd.f32 v62, v2;
	v1 =	vadd.f32 v1, v63;
	_ =	sdelay $0x1  }
0x18a: {  	v1 =	vadd.f32 v1, v2;
	_ =	sdelay $0x1  }
0x18b: {  	v0 =	vadd.f32 v1, v0  }
0x18c: {  	s29 =	sshll.u32 s0, $0x3;
	s30 =	simm.s32 $0x0  }
0x18d: {  	s4 =	simm.s32 $0x1EF00;
	s31 =	simm.s32 $0x1;
	s2 =	sadd.s32 s2, s29;
	[tilespmem:$0x1EF30] =	vst v0  }
0x18e: {  	[hbm4b:s2+s30] =	stream.linear.scatter [tilespmem:s4], [sflag:$0x1], $0x40, $0x38;
	[tilespmem:$0x1F000] =	vst v63  }
0x18f: {  	_ =	swait.ge [sflag:s31], $0x40  }
0x190: {  	[sflag:s31] =	ssyncset.done $0x0  }
0x191: {  	[sflag:s31] =	ssyncadd.s32 $0xFFFFFFC0  }
0x192: {  	_ =	sfence.sel $0x180000  }
0x193: {  	[bflag:$0x0] =	sbarrier.arrive $0xFFFF  }
0x194: {  	p0 =	sne.s32 s0, $0x0;
	_ =	strace $0x90000047  }
0x195: {  	s0 =	sadd.s32 @!p0 $0x100000, s1;
	[bflag:$0x2] =	sbarrier.arrive $0xFFFF  }
0x196: {  	[sflag:s0] =	ssyncadd.tile.s32 @!p0 $0x1;
	_ =	shalt  }
.Lfunc_end2:
_tile_overlayer_lowered:
.L_overlay_start_2:
0x197: {  	(tag) =	ssettag $0x2  }
0x198: {  	s0 =	rddreg [dreg:$0x0];
	s2 =	stileid.u32  }
0x199: {  	s1 =	rddreg [dreg:$0x1];
	p0 =	sne.s32 s2, $0x0  }
0x19a: {  	s3 =	rddreg [dreg:$0x2];
	[bflag:$0x3] =	sbarrier.arrive $0xFFFF;
	s2 =	simm.s32 @!p0 $0x1C01  }
0x19b: {  	[timem:s3], [sflag:s2] =	dma.local @!p0 [hbm:s0], s1  }
0x19c: {  	s0 =	simm.s32 @!p0 $0x1  }
0x19d: {  	_ =	swait.ge @!p0 [sflag:s0], s1  }
0x19e: {  	s1 =	ssub.s32 @!p0 $0x0, s1;
	[sflag:s0] =	ssyncset.done @!p0 $0x0  }
0x19f: {  	[sflag:s0] =	ssyncadd.s32 @!p0 s1  }
0x1a0: {  	[bflag:$0x3] =	sbarrier.arrive $0xFFFF  }
0x1a1: {  	_ =	shalt  }

</sc_bundles>
